<compile_context>
chip_gen: v7x
topology: tpu7x:2x2x1
jax: 0.10.2.dev20260603
libtpu: 0.0.44.dev20260713+nightly
codegen_flags: <defaults>
</compile_context>

<pallas_src>
import jax
import jax.numpy as jnp
from jax import lax
from jax.experimental import pallas as pl
from jax.experimental.pallas import tpu as pltpu
from jax.experimental.pallas import tpu_sc as plsc

N_NODES = 10000
N_EDGES = 320000
D = 128
DH = D // 2

NC = 2
NS = 16
CHUNK = 125
STEPS = 160
NBUF = 5
CNT_STEPS = STEPS // NC
NPAD = 10240
ROWS_PER_TILE = NPAD // NS
ZROWS = 160


def _sc_accumulate(rows_hbm, cols2_hbm, xs_hbm, sum_hbm, cnt0_hbm, cnt1_hbm,
                   ridx_v, cidx_v, feats, ones_v, zrow_v, zcnt_v,
                   ssum, scnt, gsems, ssems, csem):
    c = lax.axis_index("c")
    s = lax.axis_index("s")

    def fill_z(i, carry):
        for j in range(DH // 32):
            zrow_v[i, pl.ds(j * 32, 32)] = jnp.zeros((32,), jnp.bfloat16)
        zcnt_v[i, :] = jnp.zeros((16,), jnp.float32)
        return carry
    lax.fori_loop(0, ZROWS, fill_z, 0)

    def fill_o(i, carry):
        ones_v[i, :] = jnp.full((16,), 1.0, jnp.float32)
        return carry
    lax.fori_loop(0, CHUNK, fill_o, 0)

    pltpu.sync_copy(rows_hbm.at[s], ridx_v)
    pltpu.sync_copy(cols2_hbm.at[c, s], cidx_v)

    rbase = s * ROWS_PER_TILE
    for k in range(ROWS_PER_TILE // ZROWS):
        pltpu.sync_copy(zrow_v, ssum.at[pl.ds(rbase + k * ZROWS, ZROWS)])
        pltpu.sync_copy(zcnt_v, scnt.at[pl.ds(rbase + k * ZROWS, ZROWS)])
    plsc.subcore_barrier()

    xtab = xs_hbm
    for k in range(2):
        pltpu.async_copy(xtab.at[cidx_v.at[k]], feats[k], gsems[k])

    def step(i, carry):
        for j in range(NBUF):
            t = NBUF * i + j
            pltpu.make_async_copy(xtab.at[pl.ds(0, CHUNK)], feats[j],
                                  gsems[j]).wait()
            pltpu.async_copy(feats[j], ssum.at[ridx_v.at[t]], ssems[j],
                             add=True)

            @pl.when(t // CNT_STEPS == c)
            def _count():
                pltpu.async_copy(ones_v, scnt.at[ridx_v.at[t]], csem,
                                 add=True)

            tf = t + 2
            jf = (j + 2) % NBUF

            @pl.when(tf >= NBUF)
            def _reuse_wait():
                pltpu.make_async_copy(feats[jf], ssum.at[ridx_v.at[0]],
                                      ssems[jf]).wait()

            @pl.when(tf < STEPS)
            def _prefetch():
                pltpu.async_copy(xtab.at[cidx_v.at[tf]], feats[jf],
                                 gsems[jf])
        return carry
    lax.fori_loop(0, STEPS // NBUF, step, 0)

    for t in range(STEPS - NBUF + 2, STEPS):
        pltpu.make_async_copy(feats[t % NBUF], ssum.at[ridx_v.at[0]],
                              ssems[t % NBUF]).wait()

    def drain_cnt(i, carry):
        pltpu.make_async_copy(ones_v, scnt.at[ridx_v.at[0]], csem).wait()
        return carry
    lax.fori_loop(0, CNT_STEPS, drain_cnt, 0)

    plsc.subcore_barrier()

    @pl.when(c == 0)
    def _out0():
        pltpu.sync_copy(ssum.at[pl.ds(rbase, ROWS_PER_TILE)],
                        sum_hbm.at[pl.ds(rbase, ROWS_PER_TILE),
                                   pl.ds(0, DH)])
        pltpu.sync_copy(scnt.at[pl.ds(rbase, ROWS_PER_TILE)],
                        cnt0_hbm.at[pl.ds(rbase, ROWS_PER_TILE)])

    @pl.when(c == 1)
    def _out1():
        pltpu.sync_copy(ssum.at[pl.ds(rbase, ROWS_PER_TILE)],
                        sum_hbm.at[pl.ds(rbase, ROWS_PER_TILE),
                                   pl.ds(DH, DH)])
        pltpu.sync_copy(scnt.at[pl.ds(rbase, ROWS_PER_TILE)],
                        cnt1_hbm.at[pl.ds(rbase, ROWS_PER_TILE)])


def _tc_xw1(x_ref, w1_ref, b_ref, y_ref):
    y_ref[...] = jnp.dot(x_ref[...], w1_ref[...],
                         preferred_element_type=jnp.float32) + b_ref[...]


def _tc_tail(y_ref, s_ref, c0_ref, c1_ref, w2_ref, o_ref):
    cnt = c0_ref[...][:, 0:1] + c1_ref[...][:, 0:1]
    inv = 1.0 / (cnt + 1e-8)
    mean = s_ref[...].astype(jnp.float32) * inv
    acc = y_ref[...] + jnp.dot(mean, w2_ref[...],
                               preferred_element_type=jnp.float32)
    o_ref[...] = jnp.maximum(acc, 0.0)


@jax.jit
def kernel(x, edge_index, W, b):
    ei = edge_index.astype(jnp.int32)
    rows = ei[0].reshape(NS, STEPS, CHUNK)
    c2 = ei[1] * 2
    cols2 = jnp.stack([c2, c2 + 1]).reshape(NC, NS, STEPS, CHUNK)
    xs = x.astype(jnp.bfloat16).reshape(2 * N_NODES, DH)

    wt = W.T
    w1 = wt[:D]
    w2 = wt[D:]
    b2 = b.reshape(1, -1)

    blk = 1000
    y1 = pl.pallas_call(
        _tc_xw1,
        grid=(N_NODES // blk,),
        in_specs=[
            pl.BlockSpec((blk, D), lambda i: (i, 0)),
            pl.BlockSpec((D, D), lambda i: (0, 0)),
            pl.BlockSpec((1, D), lambda i: (0, 0)),
        ],
        out_specs=pl.BlockSpec((blk, D), lambda i: (i, 0)),
        out_shape=jax.ShapeDtypeStruct((N_NODES, D), jnp.float32),
    )(x, w1, b2)

    mesh = plsc.VectorSubcoreMesh(core_axis_name="c", subcore_axis_name="s")
    sc = pl.kernel(
        _sc_accumulate,
        out_type=(
            jax.ShapeDtypeStruct((NPAD, D), jnp.bfloat16),
            jax.ShapeDtypeStruct((NPAD, 16), jnp.float32),
            jax.ShapeDtypeStruct((NPAD, 16), jnp.float32),
        ),
        mesh=mesh,
        scratch_types=[
            pltpu.VMEM((STEPS, CHUNK), jnp.int32),
            pltpu.VMEM((STEPS, CHUNK), jnp.int32),
            [pltpu.VMEM((CHUNK, DH), jnp.bfloat16) for _ in range(NBUF)],
            pltpu.VMEM((CHUNK, 16), jnp.float32),
            pltpu.VMEM((ZROWS, DH), jnp.bfloat16),
            pltpu.VMEM((ZROWS, 16), jnp.float32),
            pltpu.VMEM_SHARED((NPAD, DH), jnp.bfloat16),
            pltpu.VMEM_SHARED((NPAD, 16), jnp.float32),
            [pltpu.SemaphoreType.DMA for _ in range(NBUF)],
            [pltpu.SemaphoreType.DMA for _ in range(NBUF)],
            pltpu.SemaphoreType.DMA,
        ],
        compiler_params=pltpu.CompilerParams(use_tc_tiling_on_sc=False),
    )
    sum_p, cnt0, cnt1 = sc(rows, cols2, xs)

    out = pl.pallas_call(
        _tc_tail,
        grid=(N_NODES // blk,),
        in_specs=[
            pl.BlockSpec((blk, D), lambda i: (i, 0)),
            pl.BlockSpec((blk, D), lambda i: (i, 0)),
            pl.BlockSpec((blk, 16), lambda i: (i, 0)),
            pl.BlockSpec((blk, 16), lambda i: (i, 0)),
            pl.BlockSpec((D, D), lambda i: (0, 0)),
        ],
        out_specs=pl.BlockSpec((blk, D), lambda i: (i, 0)),
        out_shape=jax.ShapeDtypeStruct((N_NODES, D), jnp.float32),
    )(y1, sum_p, cnt0, cnt1, w2)
    return out

# --- scband reference (transcript-rebuilt; emitter-appended) ---
"""Pipeline reference for scband-graph-sagelayer-45681272160469 (READ-ONLY COPY).

The authoritative reference and input builder live on the scoring server;
editing this copy changes nothing except your own understanding.
"""

import jax, jax.numpy as jnp
import numpy as np

N_NODES = 10000
N_EDGES = 320000
D_IN = 128
D_OUT = 128

def setup_inputs(seed: int = 0) -> dict:
    key = jax.random.key(seed)
    k1, k2, k3, k4 = jax.random.split(key, 4)
    x = jax.random.normal(k1, (N_NODES, D_IN), dtype=jnp.float32)
    edge_index = jax.random.randint(k2, (2, N_EDGES), 0, N_NODES, dtype=jnp.int64)
    # nn.Linear(in_features*2, out_features): weight [out, 2*in], bias [out]
    bound = 1.0 / np.sqrt(2 * D_IN)
    W = jax.random.uniform(k3, (D_OUT, 2 * D_IN), minval=-bound, maxval=bound, dtype=jnp.float32)
    b = jax.random.uniform(k4, (D_OUT,), minval=-bound, maxval=bound, dtype=jnp.float32)
    return {"x": x, "edge_index": edge_index, "W": W, "b": b}

def reference(x, edge_index, W, b):
    row = edge_index[0]
    col = edge_index[1]
    # scatter-add of gathered neighbor features onto destination nodes
    neighbor_sum = jnp.zeros_like(x).at[row].add(x[col])
    neighbor_count = jnp.zeros((x.shape[0],), dtype=x.dtype).at[row].add(jnp.ones((col.shape[0],), dtype=x.dtype))
    neighbor_mean = neighbor_sum / (neighbor_count[:, None] + 1e-08)
    combined = jnp.concatenate([x, neighbor_mean], axis=1)
    out = combined @ W.T + b
    return jax.nn.relu(out)

if __name__ == "__main__":
    import jax
    _d = setup_inputs()
    print(jax.jit(kernel)(*tuple(_d.values())))

</pallas_src>

<mosaic_0001>
#map = affine_map<(d0, d1) -> (0, 0, 0)>
#map1 = affine_map<(d0, d1) -> (0, 0, 0, 0)>
#map2 = affine_map<(d0, d1) -> (0, 0)>
module attributes {stable_mosaic.version = 14 : i64} {
  func.func @_sc_accumulate(%arg0: i32, %arg1: i32, %arg2: memref<16x160x125xi32, #tpu.memory_space<hbm>>, %arg3: memref<2x16x160x125xi32, #tpu.memory_space<hbm>>, %arg4: memref<20000x64xbf16, #tpu.memory_space<hbm>>, %arg5: memref<10240x128xbf16, #tpu.memory_space<hbm>>, %arg6: memref<10240x16xf32, #tpu.memory_space<hbm>>, %arg7: memref<10240x16xf32, #tpu.memory_space<hbm>>, %arg8: memref<160x125xi32, #tpu.memory_space<vmem>>, %arg9: memref<160x125xi32, #tpu.memory_space<vmem>>, %arg10: memref<125x64xbf16, #tpu.memory_space<vmem>>, %arg11: memref<125x64xbf16, #tpu.memory_space<vmem>>, %arg12: memref<125x64xbf16, #tpu.memory_space<vmem>>, %arg13: memref<125x64xbf16, #tpu.memory_space<vmem>>, %arg14: memref<125x64xbf16, #tpu.memory_space<vmem>>, %arg15: memref<125x16xf32, #tpu.memory_space<vmem>>, %arg16: memref<160x64xbf16, #tpu.memory_space<vmem>>, %arg17: memref<160x16xf32, #tpu.memory_space<vmem>>, %arg18: memref<10240x64xbf16, #tpu.memory_space<vmem_shared>>, %arg19: memref<10240x16xf32, #tpu.memory_space<vmem_shared>>, %arg20: memref<!tpu.dma_semaphore, #tpu.memory_space<semaphore_mem>>, %arg21: memref<!tpu.dma_semaphore, #tpu.memory_space<semaphore_mem>>, %arg22: memref<!tpu.dma_semaphore, #tpu.memory_space<semaphore_mem>>, %arg23: memref<!tpu.dma_semaphore, #tpu.memory_space<semaphore_mem>>, %arg24: memref<!tpu.dma_semaphore, #tpu.memory_space<semaphore_mem>>, %arg25: memref<!tpu.dma_semaphore, #tpu.memory_space<semaphore_mem>>, %arg26: memref<!tpu.dma_semaphore, #tpu.memory_space<semaphore_mem>>, %arg27: memref<!tpu.dma_semaphore, #tpu.memory_space<semaphore_mem>>, %arg28: memref<!tpu.dma_semaphore, #tpu.memory_space<semaphore_mem>>, %arg29: memref<!tpu.dma_semaphore, #tpu.memory_space<semaphore_mem>>, %arg30: memref<!tpu.dma_semaphore, #tpu.memory_space<semaphore_mem>>) attributes {dimension_semantics = [#tpu.dimension_semantics<core_parallel>, #tpu.dimension_semantics<subcore_parallel>], iteration_bounds = array<i64: 2, 16>, scalar_prefetch = 0 : i64, scratch_operands = 23 : i64, tpu.core_type = #tpu.core_type<sc_vector_subcore>, window_params = [{transform_indices = #map}, {transform_indices = #map1}, {transform_indices = #map2}, {transform_indices = #map2}, {transform_indices = #map2}, {transform_indices = #map2}]} {
    %scan3A = arith.constant 0 : i32
    %scan3A_0 = arith.constant 0 : i32
    %scan3A_1 = arith.constant 160 : i32
    %scan3A_2 = arith.addi %scan3A_0, %scan3A_1 : i32
    %scan3A_3 = arith.constant 1 : i32
    scf.for %scan3A_80 = %scan3A_0 to %scan3A_2 step %scan3A_3  : i32 {
      %broadcast_in_dim3A = arith.constant 0.000000e+00 : bf16
      %broadcast_in_dim3A_81 = vector.broadcast %broadcast_in_dim3A : bf16 to vector<32xbf16>
      %swap3A = arith.index_cast %scan3A_80 : i32 to index
      %swap3A_82 = arith.constant 0 : index
      %swap3A_83 = tpu.vector_load %arg16[%swap3A, %swap3A_82] {strides = array<i32>} : memref<160x64xbf16, #tpu.memory_space<vmem>>, vector<1x32xbf16>,
      %swap3A_84 = vector.shape_cast %swap3A_83 : vector<1x32xbf16> to vector<32xbf16>
      %swap3A_85 = vector.shape_cast %broadcast_in_dim3A_81 : vector<32xbf16> to vector<1x32xbf16>
      tpu.vector_store %arg16[%swap3A, %swap3A_82], %swap3A_85 {strides = array<i32>} : memref<160x64xbf16, #tpu.memory_space<vmem>>, vector<1x32xbf16>,
      %broadcast_in_dim3A_86 = arith.constant 0.000000e+00 : bf16
      %broadcast_in_dim3A_87 = vector.broadcast %broadcast_in_dim3A_86 : bf16 to vector<32xbf16>
      %swap3A_88 = arith.index_cast %scan3A_80 : i32 to index
      %swap3A_89 = arith.constant 32 : index
      %swap3A_90 = tpu.vector_load %arg16[%swap3A_88, %swap3A_89] {strides = array<i32>} : memref<160x64xbf16, #tpu.memory_space<vmem>>, vector<1x32xbf16>,
      %swap3A_91 = vector.shape_cast %swap3A_90 : vector<1x32xbf16> to vector<32xbf16>
      %swap3A_92 = vector.shape_cast %broadcast_in_dim3A_87 : vector<32xbf16> to vector<1x32xbf16>
      tpu.vector_store %arg16[%swap3A_88, %swap3A_89], %swap3A_92 {strides = array<i32>} : memref<160x64xbf16, #tpu.memory_space<vmem>>, vector<1x32xbf16>,
      %broadcast_in_dim3A_93 = arith.constant 0.000000e+00 : f32
      %broadcast_in_dim3A_94 = vector.broadcast %broadcast_in_dim3A_93 : f32 to vector<16xf32>
      %swap3A_95 = arith.index_cast %scan3A_80 : i32 to index
      %swap3A_96 = arith.constant 0 : index
      %swap3A_97 = tpu.vector_load %arg17[%swap3A_95, %swap3A_96] {strides = array<i32>} : memref<160x16xf32, #tpu.memory_space<vmem>>, vector<1x16xf32>,
      %swap3A_98 = vector.shape_cast %swap3A_97 : vector<1x16xf32> to vector<16xf32>
      %swap3A_99 = vector.shape_cast %broadcast_in_dim3A_94 : vector<16xf32> to vector<1x16xf32>
      tpu.vector_store %arg17[%swap3A_95, %swap3A_96], %swap3A_99 {strides = array<i32>} : memref<160x16xf32, #tpu.memory_space<vmem>>, vector<1x16xf32>,
    }
    %scan3A_4 = arith.constant 160 : i32
    %scan3A_5 = arith.constant 0 : i32
    %scan3A_6 = arith.constant 0 : i32
    %scan3A_7 = arith.constant 125 : i32
    %scan3A_8 = arith.addi %scan3A_6, %scan3A_7 : i32
    %scan3A_9 = arith.constant 1 : i32
    scf.for %scan3A_80 = %scan3A_6 to %scan3A_8 step %scan3A_9  : i32 {
      %broadcast_in_dim3A = arith.constant 1.000000e+00 : f32
      %broadcast_in_dim3A_81 = vector.broadcast %broadcast_in_dim3A : f32 to vector<16xf32>
      %swap3A = arith.index_cast %scan3A_80 : i32 to index
      %swap3A_82 = arith.constant 0 : index
      %swap3A_83 = tpu.vector_load %arg15[%swap3A, %swap3A_82] {strides = array<i32>} : memref<125x16xf32, #tpu.memory_space<vmem>>, vector<1x16xf32>,
      %swap3A_84 = vector.shape_cast %swap3A_83 : vector<1x16xf32> to vector<16xf32>
      %swap3A_85 = vector.shape_cast %broadcast_in_dim3A_81 : vector<16xf32> to vector<1x16xf32>
      tpu.vector_store %arg15[%swap3A, %swap3A_82], %swap3A_85 {strides = array<i32>} : memref<125x16xf32, #tpu.memory_space<vmem>>, vector<1x16xf32>,
    }
    %scan3A_10 = arith.constant 125 : i32
    "tpu.region"() ({
      %run_scoped3A = tpu.sem_alloc : memref<!tpu.dma_semaphore, #tpu.memory_space<semaphore_mem>>
      %dma_start3A_80 = arith.constant 0 : i32
      %dma_start3A_81 = arith.constant 0 : i32
      %dma_start3A_82 = tpu.memref_slice %arg2[%arg1, %dma_start3A_80, %dma_start3A_81] : memref<16x160x125xi32, #tpu.memory_space<hbm>> -> memref<1x160x125xi32, #tpu.memory_space<hbm>>
      %dma_start3A_83 = tpu.memref_squeeze %dma_start3A_82 : memref<1x160x125xi32, #tpu.memory_space<hbm>> -> memref<160x125xi32, #tpu.memory_space<hbm>>
      %dma_start3A_84 = arith.constant 0 : i32
      %dma_start3A_85 = arith.constant 0 : i32
      %dma_start3A_86 = tpu.memref_slice %arg2[%arg1, %dma_start3A_84, %dma_start3A_85] : memref<16x160x125xi32, #tpu.memory_space<hbm>> -> memref<1x160x125xi32, #tpu.memory_space<hbm>>
      %dma_start3A_87 = tpu.memref_squeeze %dma_start3A_86 : memref<1x160x125xi32, #tpu.memory_space<hbm>> -> memref<160x125xi32, #tpu.memory_space<hbm>>
      tpu.enqueue_dma source(%dma_start3A_87 : memref<160x125xi32, #tpu.memory_space<hbm>>) target(%arg8 : memref<160x125xi32, #tpu.memory_space<vmem>>) target_semaphore(%run_scoped3A : memref<!tpu.dma_semaphore, #tpu.memory_space<semaphore_mem>>)
      %dma_wait3A_88 = arith.constant 0 : i32
      %dma_wait3A_89 = arith.constant 0 : i32
      %dma_wait3A_90 = tpu.memref_slice %arg2[%arg1, %dma_wait3A_88, %dma_wait3A_89] : memref<16x160x125xi32, #tpu.memory_space<hbm>> -> memref<1x160x125xi32, #tpu.memory_space<hbm>>
      %dma_wait3A_91 = tpu.memref_squeeze %dma_wait3A_90 : memref<1x160x125xi32, #tpu.memory_space<hbm>> -> memref<160x125xi32, #tpu.memory_space<hbm>>
      %dma_wait3A_92 = arith.constant 0 : i32
      %dma_wait3A_93 = arith.constant 0 : i32
      %dma_wait3A_94 = tpu.memref_slice %arg2[%arg1, %dma_wait3A_92, %dma_wait3A_93] : memref<16x160x125xi32, #tpu.memory_space<hbm>> -> memref<1x160x125xi32, #tpu.memory_space<hbm>>
      %dma_wait3A_95 = tpu.memref_squeeze %dma_wait3A_94 : memref<1x160x125xi32, #tpu.memory_space<hbm>> -> memref<160x125xi32, #tpu.memory_space<hbm>>
      tpu.wait_dma2 semaphore(%run_scoped3A : memref<!tpu.dma_semaphore, #tpu.memory_space<semaphore_mem>>) src(%dma_wait3A_95 : memref<160x125xi32, #tpu.memory_space<hbm>>) dst(%arg8 : memref<160x125xi32, #tpu.memory_space<vmem>>)
      tpu.yield
    }) : () -> ()
    "tpu.region"() ({
      %run_scoped3A = tpu.sem_alloc : memref<!tpu.dma_semaphore, #tpu.memory_space<semaphore_mem>>
      %dma_start3A_80 = arith.constant 0 : i32
      %dma_start3A_81 = arith.constant 0 : i32
      %dma_start3A_82 = tpu.memref_slice %arg3[%arg0, %arg1, %dma_start3A_80, %dma_start3A_81] : memref<2x16x160x125xi32, #tpu.memory_space<hbm>> -> memref<1x1x160x125xi32, #tpu.memory_space<hbm>>
      %dma_start3A_83 = tpu.memref_squeeze %dma_start3A_82 : memref<1x1x160x125xi32, #tpu.memory_space<hbm>> -> memref<160x125xi32, #tpu.memory_space<hbm>>
      %dma_start3A_84 = arith.constant 0 : i32
      %dma_start3A_85 = arith.constant 0 : i32
      %dma_start3A_86 = tpu.memref_slice %arg3[%arg0, %arg1, %dma_start3A_84, %dma_start3A_85] : memref<2x16x160x125xi32, #tpu.memory_space<hbm>> -> memref<1x1x160x125xi32, #tpu.memory_space<hbm>>
      %dma_start3A_87 = tpu.memref_squeeze %dma_start3A_86 : memref<1x1x160x125xi32, #tpu.memory_space<hbm>> -> memref<160x125xi32, #tpu.memory_space<hbm>>
      tpu.enqueue_dma source(%dma_start3A_87 : memref<160x125xi32, #tpu.memory_space<hbm>>) target(%arg9 : memref<160x125xi32, #tpu.memory_space<vmem>>) target_semaphore(%run_scoped3A : memref<!tpu.dma_semaphore, #tpu.memory_space<semaphore_mem>>)
      %dma_wait3A_88 = arith.constant 0 : i32
      %dma_wait3A_89 = arith.constant 0 : i32
      %dma_wait3A_90 = tpu.memref_slice %arg3[%arg0, %arg1, %dma_wait3A_88, %dma_wait3A_89] : memref<2x16x160x125xi32, #tpu.memory_space<hbm>> -> memref<1x1x160x125xi32, #tpu.memory_space<hbm>>
      %dma_wait3A_91 = tpu.memref_squeeze %dma_wait3A_90 : memref<1x1x160x125xi32, #tpu.memory_space<hbm>> -> memref<160x125xi32, #tpu.memory_space<hbm>>
      %dma_wait3A_92 = arith.constant 0 : i32
      %dma_wait3A_93 = arith.constant 0 : i32
      %dma_wait3A_94 = tpu.memref_slice %arg3[%arg0, %arg1, %dma_wait3A_92, %dma_wait3A_93] : memref<2x16x160x125xi32, #tpu.memory_space<hbm>> -> memref<1x1x160x125xi32, #tpu.memory_space<hbm>>
      %dma_wait3A_95 = tpu.memref_squeeze %dma_wait3A_94 : memref<1x1x160x125xi32, #tpu.memory_space<hbm>> -> memref<160x125xi32, #tpu.memory_space<hbm>>
      tpu.wait_dma2 semaphore(%run_scoped3A : memref<!tpu.dma_semaphore, #tpu.memory_space<semaphore_mem>>) src(%dma_wait3A_95 : memref<160x125xi32, #tpu.memory_space<hbm>>) dst(%arg9 : memref<160x125xi32, #tpu.memory_space<vmem>>)
      tpu.yield
    }) : () -> ()
    %mul3A = arith.constant 640 : i32
    %mul3A_11 = arith.muli %arg1, %mul3A : i32
    %add3A = arith.constant 0 : i32
    %add3A_12 = arith.addi %mul3A_11, %add3A : i32
    "tpu.region"() ({
      %run_scoped3A = tpu.sem_alloc : memref<!tpu.dma_semaphore, #tpu.memory_space<semaphore_mem>>
      %dma_start3A_80 = arith.constant 0 : i32
      %dma_start3A_81 = tpu.memref_slice %arg18[%add3A_12, %dma_start3A_80] : memref<10240x64xbf16, #tpu.memory_space<vmem_shared>> -> memref<160x64xbf16, #tpu.memory_space<vmem_shared>>
      %dma_start3A_82 = arith.constant 0 : i32
      %dma_start3A_83 = tpu.memref_slice %arg18[%add3A_12, %dma_start3A_82] : memref<10240x64xbf16, #tpu.memory_space<vmem_shared>> -> memref<160x64xbf16, #tpu.memory_space<vmem_shared>>
      tpu.enqueue_dma source(%arg16 : memref<160x64xbf16, #tpu.memory_space<vmem>>) target(%dma_start3A_83 : memref<160x64xbf16, #tpu.memory_space<vmem_shared>>) target_semaphore(%run_scoped3A : memref<!tpu.dma_semaphore, #tpu.memory_space<semaphore_mem>>)
      %dma_wait3A_84 = arith.constant 0 : i32
      %dma_wait3A_85 = tpu.memref_slice %arg18[%add3A_12, %dma_wait3A_84] : memref<10240x64xbf16, #tpu.memory_space<vmem_shared>> -> memref<160x64xbf16, #tpu.memory_space<vmem_shared>>
      %dma_wait3A_86 = arith.constant 0 : i32
      %dma_wait3A_87 = tpu.memref_slice %arg18[%add3A_12, %dma_wait3A_86] : memref<10240x64xbf16, #tpu.memory_space<vmem_shared>> -> memref<160x64xbf16, #tpu.memory_space<vmem_shared>>
      tpu.wait_dma2 semaphore(%run_scoped3A : memref<!tpu.dma_semaphore, #tpu.memory_space<semaphore_mem>>) src(%arg16 : memref<160x64xbf16, #tpu.memory_space<vmem>>) dst(%dma_wait3A_87 : memref<160x64xbf16, #tpu.memory_space<vmem_shared>>)
      tpu.yield
    }) : () -> ()
    %add3A_13 = arith.constant 0 : i32
    %add3A_14 = arith.addi %mul3A_11, %add3A_13 : i32
    "tpu.region"() ({
      %run_scoped3A = tpu.sem_alloc : memref<!tpu.dma_semaphore, #tpu.memory_space<semaphore_mem>>
      %dma_start3A_80 = arith.constant 0 : i32
      %dma_start3A_81 = tpu.memref_slice %arg19[%add3A_14, %dma_start3A_80] : memref<10240x16xf32, #tpu.memory_space<vmem_shared>> -> memref<160x16xf32, #tpu.memory_space<vmem_shared>>
      %dma_start3A_82 = arith.constant 0 : i32
      %dma_start3A_83 = tpu.memref_slice %arg19[%add3A_14, %dma_start3A_82] : memref<10240x16xf32, #tpu.memory_space<vmem_shared>> -> memref<160x16xf32, #tpu.memory_space<vmem_shared>>
      tpu.enqueue_dma source(%arg17 : memref<160x16xf32, #tpu.memory_space<vmem>>) target(%dma_start3A_83 : memref<160x16xf32, #tpu.memory_space<vmem_shared>>) target_semaphore(%run_scoped3A : memref<!tpu.dma_semaphore, #tpu.memory_space<semaphore_mem>>)
      %dma_wait3A_84 = arith.constant 0 : i32
      %dma_wait3A_85 = tpu.memref_slice %arg19[%add3A_14, %dma_wait3A_84] : memref<10240x16xf32, #tpu.memory_space<vmem_shared>> -> memref<160x16xf32, #tpu.memory_space<vmem_shared>>
      %dma_wait3A_86 = arith.constant 0 : i32
      %dma_wait3A_87 = tpu.memref_slice %arg19[%add3A_14, %dma_wait3A_86] : memref<10240x16xf32, #tpu.memory_space<vmem_shared>> -> memref<160x16xf32, #tpu.memory_space<vmem_shared>>
      tpu.wait_dma2 semaphore(%run_scoped3A : memref<!tpu.dma_semaphore, #tpu.memory_space<semaphore_mem>>) src(%arg17 : memref<160x16xf32, #tpu.memory_space<vmem>>) dst(%dma_wait3A_87 : memref<160x16xf32, #tpu.memory_space<vmem_shared>>)
      tpu.yield
    }) : () -> ()
    %add3A_15 = arith.constant 160 : i32
    %add3A_16 = arith.addi %mul3A_11, %add3A_15 : i32
    "tpu.region"() ({
      %run_scoped3A = tpu.sem_alloc : memref<!tpu.dma_semaphore, #tpu.memory_space<semaphore_mem>>
      %dma_start3A_80 = arith.constant 0 : i32
      %dma_start3A_81 = tpu.memref_slice %arg18[%add3A_16, %dma_start3A_80] : memref<10240x64xbf16, #tpu.memory_space<vmem_shared>> -> memref<160x64xbf16, #tpu.memory_space<vmem_shared>>
      %dma_start3A_82 = arith.constant 0 : i32
      %dma_start3A_83 = tpu.memref_slice %arg18[%add3A_16, %dma_start3A_82] : memref<10240x64xbf16, #tpu.memory_space<vmem_shared>> -> memref<160x64xbf16, #tpu.memory_space<vmem_shared>>
      tpu.enqueue_dma source(%arg16 : memref<160x64xbf16, #tpu.memory_space<vmem>>) target(%dma_start3A_83 : memref<160x64xbf16, #tpu.memory_space<vmem_shared>>) target_semaphore(%run_scoped3A : memref<!tpu.dma_semaphore, #tpu.memory_space<semaphore_mem>>)
      %dma_wait3A_84 = arith.constant 0 : i32
      %dma_wait3A_85 = tpu.memref_slice %arg18[%add3A_16, %dma_wait3A_84] : memref<10240x64xbf16, #tpu.memory_space<vmem_shared>> -> memref<160x64xbf16, #tpu.memory_space<vmem_shared>>
      %dma_wait3A_86 = arith.constant 0 : i32
      %dma_wait3A_87 = tpu.memref_slice %arg18[%add3A_16, %dma_wait3A_86] : memref<10240x64xbf16, #tpu.memory_space<vmem_shared>> -> memref<160x64xbf16, #tpu.memory_space<vmem_shared>>
      tpu.wait_dma2 semaphore(%run_scoped3A : memref<!tpu.dma_semaphore, #tpu.memory_space<semaphore_mem>>) src(%arg16 : memref<160x64xbf16, #tpu.memory_space<vmem>>) dst(%dma_wait3A_87 : memref<160x64xbf16, #tpu.memory_space<vmem_shared>>)
      tpu.yield
    }) : () -> ()
    %add3A_17 = arith.constant 160 : i32
    %add3A_18 = arith.addi %mul3A_11, %add3A_17 : i32
    "tpu.region"() ({
      %run_scoped3A = tpu.sem_alloc : memref<!tpu.dma_semaphore, #tpu.memory_space<semaphore_mem>>
      %dma_start3A_80 = arith.constant 0 : i32
      %dma_start3A_81 = tpu.memref_slice %arg19[%add3A_18, %dma_start3A_80] : memref<10240x16xf32, #tpu.memory_space<vmem_shared>> -> memref<160x16xf32, #tpu.memory_space<vmem_shared>>
      %dma_start3A_82 = arith.constant 0 : i32
      %dma_start3A_83 = tpu.memref_slice %arg19[%add3A_18, %dma_start3A_82] : memref<10240x16xf32, #tpu.memory_space<vmem_shared>> -> memref<160x16xf32, #tpu.memory_space<vmem_shared>>
      tpu.enqueue_dma source(%arg17 : memref<160x16xf32, #tpu.memory_space<vmem>>) target(%dma_start3A_83 : memref<160x16xf32, #tpu.memory_space<vmem_shared>>) target_semaphore(%run_scoped3A : memref<!tpu.dma_semaphore, #tpu.memory_space<semaphore_mem>>)
      %dma_wait3A_84 = arith.constant 0 : i32
      %dma_wait3A_85 = tpu.memref_slice %arg19[%add3A_18, %dma_wait3A_84] : memref<10240x16xf32, #tpu.memory_space<vmem_shared>> -> memref<160x16xf32, #tpu.memory_space<vmem_shared>>
      %dma_wait3A_86 = arith.constant 0 : i32
      %dma_wait3A_87 = tpu.memref_slice %arg19[%add3A_18, %dma_wait3A_86] : memref<10240x16xf32, #tpu.memory_space<vmem_shared>> -> memref<160x16xf32, #tpu.memory_space<vmem_shared>>
      tpu.wait_dma2 semaphore(%run_scoped3A : memref<!tpu.dma_semaphore, #tpu.memory_space<semaphore_mem>>) src(%arg17 : memref<160x16xf32, #tpu.memory_space<vmem>>) dst(%dma_wait3A_87 : memref<160x16xf32, #tpu.memory_space<vmem_shared>>)
      tpu.yield
    }) : () -> ()
    %add3A_19 = arith.constant 320 : i32
    %add3A_20 = arith.addi %mul3A_11, %add3A_19 : i32
    "tpu.region"() ({
      %run_scoped3A = tpu.sem_alloc : memref<!tpu.dma_semaphore, #tpu.memory_space<semaphore_mem>>
      %dma_start3A_80 = arith.constant 0 : i32
      %dma_start3A_81 = tpu.memref_slice %arg18[%add3A_20, %dma_start3A_80] : memref<10240x64xbf16, #tpu.memory_space<vmem_shared>> -> memref<160x64xbf16, #tpu.memory_space<vmem_shared>>
      %dma_start3A_82 = arith.constant 0 : i32
      %dma_start3A_83 = tpu.memref_slice %arg18[%add3A_20, %dma_start3A_82] : memref<10240x64xbf16, #tpu.memory_space<vmem_shared>> -> memref<160x64xbf16, #tpu.memory_space<vmem_shared>>
      tpu.enqueue_dma source(%arg16 : memref<160x64xbf16, #tpu.memory_space<vmem>>) target(%dma_start3A_83 : memref<160x64xbf16, #tpu.memory_space<vmem_shared>>) target_semaphore(%run_scoped3A : memref<!tpu.dma_semaphore, #tpu.memory_space<semaphore_mem>>)
      %dma_wait3A_84 = arith.constant 0 : i32
      %dma_wait3A_85 = tpu.memref_slice %arg18[%add3A_20, %dma_wait3A_84] : memref<10240x64xbf16, #tpu.memory_space<vmem_shared>> -> memref<160x64xbf16, #tpu.memory_space<vmem_shared>>
      %dma_wait3A_86 = arith.constant 0 : i32
      %dma_wait3A_87 = tpu.memref_slice %arg18[%add3A_20, %dma_wait3A_86] : memref<10240x64xbf16, #tpu.memory_space<vmem_shared>> -> memref<160x64xbf16, #tpu.memory_space<vmem_shared>>
      tpu.wait_dma2 semaphore(%run_scoped3A : memref<!tpu.dma_semaphore, #tpu.memory_space<semaphore_mem>>) src(%arg16 : memref<160x64xbf16, #tpu.memory_space<vmem>>) dst(%dma_wait3A_87 : memref<160x64xbf16, #tpu.memory_space<vmem_shared>>)
      tpu.yield
    }) : () -> ()
    %add3A_21 = arith.constant 320 : i32
    %add3A_22 = arith.addi %mul3A_11, %add3A_21 : i32
    "tpu.region"() ({
      %run_scoped3A = tpu.sem_alloc : memref<!tpu.dma_semaphore, #tpu.memory_space<semaphore_mem>>
      %dma_start3A_80 = arith.constant 0 : i32
      %dma_start3A_81 = tpu.memref_slice %arg19[%add3A_22, %dma_start3A_80] : memref<10240x16xf32, #tpu.memory_space<vmem_shared>> -> memref<160x16xf32, #tpu.memory_space<vmem_shared>>
      %dma_start3A_82 = arith.constant 0 : i32
      %dma_start3A_83 = tpu.memref_slice %arg19[%add3A_22, %dma_start3A_82] : memref<10240x16xf32, #tpu.memory_space<vmem_shared>> -> memref<160x16xf32, #tpu.memory_space<vmem_shared>>
      tpu.enqueue_dma source(%arg17 : memref<160x16xf32, #tpu.memory_space<vmem>>) target(%dma_start3A_83 : memref<160x16xf32, #tpu.memory_space<vmem_shared>>) target_semaphore(%run_scoped3A : memref<!tpu.dma_semaphore, #tpu.memory_space<semaphore_mem>>)
      %dma_wait3A_84 = arith.constant 0 : i32
      %dma_wait3A_85 = tpu.memref_slice %arg19[%add3A_22, %dma_wait3A_84] : memref<10240x16xf32, #tpu.memory_space<vmem_shared>> -> memref<160x16xf32, #tpu.memory_space<vmem_shared>>
      %dma_wait3A_86 = arith.constant 0 : i32
      %dma_wait3A_87 = tpu.memref_slice %arg19[%add3A_22, %dma_wait3A_86] : memref<10240x16xf32, #tpu.memory_space<vmem_shared>> -> memref<160x16xf32, #tpu.memory_space<vmem_shared>>
      tpu.wait_dma2 semaphore(%run_scoped3A : memref<!tpu.dma_semaphore, #tpu.memory_space<semaphore_mem>>) src(%arg17 : memref<160x16xf32, #tpu.memory_space<vmem>>) dst(%dma_wait3A_87 : memref<160x16xf32, #tpu.memory_space<vmem_shared>>)
      tpu.yield
    }) : () -> ()
    %add3A_23 = arith.constant 480 : i32
    %add3A_24 = arith.addi %mul3A_11, %add3A_23 : i32
    "tpu.region"() ({
      %run_scoped3A = tpu.sem_alloc : memref<!tpu.dma_semaphore, #tpu.memory_space<semaphore_mem>>
      %dma_start3A_80 = arith.constant 0 : i32
      %dma_start3A_81 = tpu.memref_slice %arg18[%add3A_24, %dma_start3A_80] : memref<10240x64xbf16, #tpu.memory_space<vmem_shared>> -> memref<160x64xbf16, #tpu.memory_space<vmem_shared>>
      %dma_start3A_82 = arith.constant 0 : i32
      %dma_start3A_83 = tpu.memref_slice %arg18[%add3A_24, %dma_start3A_82] : memref<10240x64xbf16, #tpu.memory_space<vmem_shared>> -> memref<160x64xbf16, #tpu.memory_space<vmem_shared>>
      tpu.enqueue_dma source(%arg16 : memref<160x64xbf16, #tpu.memory_space<vmem>>) target(%dma_start3A_83 : memref<160x64xbf16, #tpu.memory_space<vmem_shared>>) target_semaphore(%run_scoped3A : memref<!tpu.dma_semaphore, #tpu.memory_space<semaphore_mem>>)
      %dma_wait3A_84 = arith.constant 0 : i32
      %dma_wait3A_85 = tpu.memref_slice %arg18[%add3A_24, %dma_wait3A_84] : memref<10240x64xbf16, #tpu.memory_space<vmem_shared>> -> memref<160x64xbf16, #tpu.memory_space<vmem_shared>>
      %dma_wait3A_86 = arith.constant 0 : i32
      %dma_wait3A_87 = tpu.memref_slice %arg18[%add3A_24, %dma_wait3A_86] : memref<10240x64xbf16, #tpu.memory_space<vmem_shared>> -> memref<160x64xbf16, #tpu.memory_space<vmem_shared>>
      tpu.wait_dma2 semaphore(%run_scoped3A : memref<!tpu.dma_semaphore, #tpu.memory_space<semaphore_mem>>) src(%arg16 : memref<160x64xbf16, #tpu.memory_space<vmem>>) dst(%dma_wait3A_87 : memref<160x64xbf16, #tpu.memory_space<vmem_shared>>)
      tpu.yield
    }) : () -> ()
    %add3A_25 = arith.constant 480 : i32
    %add3A_26 = arith.addi %mul3A_11, %add3A_25 : i32
    "tpu.region"() ({
      %run_scoped3A = tpu.sem_alloc : memref<!tpu.dma_semaphore, #tpu.memory_space<semaphore_mem>>
      %dma_start3A_80 = arith.constant 0 : i32
      %dma_start3A_81 = tpu.memref_slice %arg19[%add3A_26, %dma_start3A_80] : memref<10240x16xf32, #tpu.memory_space<vmem_shared>> -> memref<160x16xf32, #tpu.memory_space<vmem_shared>>
      %dma_start3A_82 = arith.constant 0 : i32
      %dma_start3A_83 = tpu.memref_slice %arg19[%add3A_26, %dma_start3A_82] : memref<10240x16xf32, #tpu.memory_space<vmem_shared>> -> memref<160x16xf32, #tpu.memory_space<vmem_shared>>
      tpu.enqueue_dma source(%arg17 : memref<160x16xf32, #tpu.memory_space<vmem>>) target(%dma_start3A_83 : memref<160x16xf32, #tpu.memory_space<vmem_shared>>) target_semaphore(%run_scoped3A : memref<!tpu.dma_semaphore, #tpu.memory_space<semaphore_mem>>)
      %dma_wait3A_84 = arith.constant 0 : i32
      %dma_wait3A_85 = tpu.memref_slice %arg19[%add3A_26, %dma_wait3A_84] : memref<10240x16xf32, #tpu.memory_space<vmem_shared>> -> memref<160x16xf32, #tpu.memory_space<vmem_shared>>
      %dma_wait3A_86 = arith.constant 0 : i32
      %dma_wait3A_87 = tpu.memref_slice %arg19[%add3A_26, %dma_wait3A_86] : memref<10240x16xf32, #tpu.memory_space<vmem_shared>> -> memref<160x16xf32, #tpu.memory_space<vmem_shared>>
      tpu.wait_dma2 semaphore(%run_scoped3A : memref<!tpu.dma_semaphore, #tpu.memory_space<semaphore_mem>>) src(%arg17 : memref<160x16xf32, #tpu.memory_space<vmem>>) dst(%dma_wait3A_87 : memref<160x16xf32, #tpu.memory_space<vmem_shared>>)
      tpu.yield
    }) : () -> ()
    %barrier3A = arith.constant 0 : index
    tpu.barrier barrier_id(%barrier3A)
    %dma_start3A = arith.constant 0 : i32
    %dma_start3A_27 = arith.constant 0 : i32
    %dma_start3A_28 = tpu.memref_slice %arg9[%dma_start3A, %dma_start3A_27] : memref<160x125xi32, #tpu.memory_space<vmem>> -> memref<1x125xi32, #tpu.memory_space<vmem>>
    %dma_start3A_29 = tpu.memref_squeeze %dma_start3A_28 : memref<1x125xi32, #tpu.memory_space<vmem>> -> memref<125xi32, #tpu.memory_space<vmem>>
    %dma_start3A_30 = arith.constant 0 : i32
    %dma_start3A_31 = arith.constant 0 : i32
    %dma_start3A_32 = tpu.memref_slice %arg4[%dma_start3A_30, %dma_start3A_31] : memref<20000x64xbf16, #tpu.memory_space<hbm>> -> memref<20000x64xbf16, #tpu.memory_space<hbm>>
    tpu.enqueue_indirect_dma source(%dma_start3A_32 : memref<20000x64xbf16, #tpu.memory_space<hbm>>) target(%arg10 : memref<125x64xbf16, #tpu.memory_space<vmem>>) offsets(%dma_start3A_29 : memref<125xi32, #tpu.memory_space<vmem>>) semaphore(%arg20 : memref<!tpu.dma_semaphore, #tpu.memory_space<semaphore_mem>>)
    %dma_start3A_33 = arith.constant 1 : i32
    %dma_start3A_34 = arith.constant 0 : i32
    %dma_start3A_35 = tpu.memref_slice %arg9[%dma_start3A_33, %dma_start3A_34] : memref<160x125xi32, #tpu.memory_space<vmem>> -> memref<1x125xi32, #tpu.memory_space<vmem>>
    %dma_start3A_36 = tpu.memref_squeeze %dma_start3A_35 : memref<1x125xi32, #tpu.memory_space<vmem>> -> memref<125xi32, #tpu.memory_space<vmem>>
    %dma_start3A_37 = arith.constant 0 : i32
    %dma_start3A_38 = arith.constant 0 : i32
    %dma_start3A_39 = tpu.memref_slice %arg4[%dma_start3A_37, %dma_start3A_38] : memref<20000x64xbf16, #tpu.memory_space<hbm>> -> memref<20000x64xbf16, #tpu.memory_space<hbm>>
    tpu.enqueue_indirect_dma source(%dma_start3A_39 : memref<20000x64xbf16, #tpu.memory_space<hbm>>) target(%arg11 : memref<125x64xbf16, #tpu.memory_space<vmem>>) offsets(%dma_start3A_36 : memref<125xi32, #tpu.memory_space<vmem>>) semaphore(%arg21 : memref<!tpu.dma_semaphore, #tpu.memory_space<semaphore_mem>>)
    %scan3A_40 = arith.constant 0 : i32
    %scan3A_41 = arith.constant 0 : i32
    %scan3A_42 = arith.constant 32 : i32
    %scan3A_43 = arith.addi %scan3A_41, %scan3A_42 : i32
    %scan3A_44 = arith.constant 1 : i32
    scf.for %scan3A_80 = %scan3A_41 to %scan3A_43 step %scan3A_44  : i32 {
      %mul3A_81 = arith.constant 5 : i32
      %mul3A_82 = arith.muli %mul3A_81, %scan3A_80 : i32
      %add3A_83 = arith.constant 0 : i32
      %add3A_84 = arith.addi %mul3A_82, %add3A_83 : i32
      %dma_wait3A_85 = arith.constant 0 : i32
      %dma_wait3A_86 = arith.constant 0 : i32
      %dma_wait3A_87 = tpu.memref_slice %arg4[%dma_wait3A_85, %dma_wait3A_86] : memref<20000x64xbf16, #tpu.memory_space<hbm>> -> memref<125x64xbf16, #tpu.memory_space<hbm>>
      %dma_wait3A_88 = arith.constant 0 : i32
      %dma_wait3A_89 = arith.constant 0 : i32
      %dma_wait3A_90 = tpu.memref_slice %arg4[%dma_wait3A_88, %dma_wait3A_89] : memref<20000x64xbf16, #tpu.memory_space<hbm>> -> memref<125x64xbf16, #tpu.memory_space<hbm>>
      tpu.wait_dma2 semaphore(%arg20 : memref<!tpu.dma_semaphore, #tpu.memory_space<semaphore_mem>>) src(%dma_wait3A_90 : memref<125x64xbf16, #tpu.memory_space<hbm>>) dst(%arg10 : memref<125x64xbf16, #tpu.memory_space<vmem>>)
      %dma_start3A_91 = arith.constant 0 : i32
      %dma_start3A_92 = tpu.memref_slice %arg8[%add3A_84, %dma_start3A_91] : memref<160x125xi32, #tpu.memory_space<vmem>> -> memref<1x125xi32, #tpu.memory_space<vmem>>
      %dma_start3A_93 = tpu.memref_squeeze %dma_start3A_92 : memref<1x125xi32, #tpu.memory_space<vmem>> -> memref<125xi32, #tpu.memory_space<vmem>>
      %dma_start3A_94 = arith.constant 0 : i32
      %dma_start3A_95 = arith.constant 0 : i32
      %dma_start3A_96 = tpu.memref_slice %arg18[%dma_start3A_94, %dma_start3A_95] : memref<10240x64xbf16, #tpu.memory_space<vmem_shared>> -> memref<10240x64xbf16, #tpu.memory_space<vmem_shared>>
      tpu.enqueue_indirect_dma source(%arg10 : memref<125x64xbf16, #tpu.memory_space<vmem>>) target(%dma_start3A_96 : memref<10240x64xbf16, #tpu.memory_space<vmem_shared>>) offsets(%dma_start3A_93 : memref<125xi32, #tpu.memory_space<vmem>>) semaphore(%arg25 : memref<!tpu.dma_semaphore, #tpu.memory_space<semaphore_mem>>) {add = true}
      %jit3A = arith.constant 80 : i32
      %div3A = arith.divsi %add3A_84, %jit3A : i32
      %sign3A = arith.constant 0 : i32
      %sign3A_97 = arith.cmpi sgt, %add3A_84, %sign3A : i32
      %sign3A_98 = arith.extui %sign3A_97 : i1 to i32
      %sign3A_99 = arith.constant 0 : i32
      %sign3A_100 = arith.cmpi slt, %add3A_84, %sign3A_99 : i32
      %sign3A_101 = arith.extui %sign3A_100 : i1 to i32
      %sign3A_102 = arith.subi %sign3A_98, %sign3A_101 : i32
      %sign3A_103 = arith.constant 0 : i32
      %sign3A_104 = arith.cmpi sgt, %jit3A, %sign3A_103 : i32
      %sign3A_105 = arith.extui %sign3A_104 : i1 to i32
      %sign3A_106 = arith.constant 0 : i32
      %sign3A_107 = arith.cmpi slt, %jit3A, %sign3A_106 : i32
      %sign3A_108 = arith.extui %sign3A_107 : i1 to i32
      %sign3A_109 = arith.subi %sign3A_105, %sign3A_108 : i32
      %ne3A = arith.cmpi ne, %sign3A_102, %sign3A_109 : i32
      %rem3A = arith.remsi %add3A_84, %jit3A : i32
      %ne3A_110 = arith.constant 0 : i32
      %ne3A_111 = arith.cmpi ne, %rem3A, %ne3A_110 : i32
      %and3A = arith.andi %ne3A, %ne3A_111 : i1
      %sub3A = arith.constant 1 : i32
      %sub3A_112 = arith.subi %div3A, %sub3A : i32
      %select_n3A = arith.select %and3A, %sub3A_112, %div3A : i32
      %eq3A_113 = arith.cmpi eq, %select_n3A, %arg0 : i32
      %convert_element_type3A_114 = arith.extui %eq3A_113 : i1 to i32
      %cond3A_115 = arith.constant 0 : i32
      %cond3A_116 = arith.cmpi ne, %convert_element_type3A_114, %cond3A_115 : i32
      scf.if %cond3A_116 {
        %dma_start3A_351 = arith.constant 0 : i32
        %dma_start3A_352 = tpu.memref_slice %arg8[%add3A_84, %dma_start3A_351] : memref<160x125xi32, #tpu.memory_space<vmem>> -> memref<1x125xi32, #tpu.memory_space<vmem>>
        %dma_start3A_353 = tpu.memref_squeeze %dma_start3A_352 : memref<1x125xi32, #tpu.memory_space<vmem>> -> memref<125xi32, #tpu.memory_space<vmem>>
        %dma_start3A_354 = arith.constant 0 : i32
        %dma_start3A_355 = arith.constant 0 : i32
        %dma_start3A_356 = tpu.memref_slice %arg19[%dma_start3A_354, %dma_start3A_355] : memref<10240x16xf32, #tpu.memory_space<vmem_shared>> -> memref<10240x16xf32, #tpu.memory_space<vmem_shared>>
        tpu.enqueue_indirect_dma source(%arg15 : memref<125x16xf32, #tpu.memory_space<vmem>>) target(%dma_start3A_356 : memref<10240x16xf32, #tpu.memory_space<vmem_shared>>) offsets(%dma_start3A_353 : memref<125xi32, #tpu.memory_space<vmem>>) semaphore(%arg30 : memref<!tpu.dma_semaphore, #tpu.memory_space<semaphore_mem>>) {add = true}
      } else {
      }
      %add3A_117 = arith.constant 2 : i32
      %add3A_118 = arith.addi %add3A_84, %add3A_117 : i32
      %ge3A = arith.constant 5 : i32
      %ge3A_119 = arith.cmpi sge, %add3A_118, %ge3A : i32
      %convert_element_type3A_120 = arith.extui %ge3A_119 : i1 to i32
      %cond3A_121 = arith.constant 0 : i32
      %cond3A_122 = arith.cmpi ne, %convert_element_type3A_120, %cond3A_121 : i32
      scf.if %cond3A_122 {
        %dma_wait3A_351 = arith.constant 0 : i32
        %dma_wait3A_352 = arith.constant 0 : i32
        %dma_wait3A_353 = tpu.memref_slice %arg8[%dma_wait3A_351, %dma_wait3A_352] : memref<160x125xi32, #tpu.memory_space<vmem>> -> memref<1x125xi32, #tpu.memory_space<vmem>>
        %dma_wait3A_354 = tpu.memref_squeeze %dma_wait3A_353 : memref<1x125xi32, #tpu.memory_space<vmem>> -> memref<125xi32, #tpu.memory_space<vmem>>
        %dma_wait3A_355 = arith.constant 0 : i32
        %dma_wait3A_356 = arith.constant 0 : i32
        %dma_wait3A_357 = tpu.memref_slice %arg18[%dma_wait3A_355, %dma_wait3A_356] : memref<10240x64xbf16, #tpu.memory_space<vmem_shared>> -> memref<10240x64xbf16, #tpu.memory_space<vmem_shared>>
        tpu.wait_indirect_dma semaphore(%arg27 : memref<!tpu.dma_semaphore, #tpu.memory_space<semaphore_mem>>) src(%arg12 : memref<125x64xbf16, #tpu.memory_space<vmem>>) dst(%dma_wait3A_357 : memref<10240x64xbf16, #tpu.memory_space<vmem_shared>>)
      } else {
      }
      %lt3A = arith.constant 160 : i32
      %lt3A_123 = arith.cmpi slt, %add3A_118, %lt3A : i32
      %convert_element_type3A_124 = arith.extui %lt3A_123 : i1 to i32
      %cond3A_125 = arith.constant 0 : i32
      %cond3A_126 = arith.cmpi ne, %convert_element_type3A_124, %cond3A_125 : i32
      scf.if %cond3A_126 {
        %dma_start3A_351 = arith.constant 0 : i32
        %dma_start3A_352 = tpu.memref_slice %arg9[%add3A_118, %dma_start3A_351] : memref<160x125xi32, #tpu.memory_space<vmem>> -> memref<1x125xi32, #tpu.memory_space<vmem>>
        %dma_start3A_353 = tpu.memref_squeeze %dma_start3A_352 : memref<1x125xi32, #tpu.memory_space<vmem>> -> memref<125xi32, #tpu.memory_space<vmem>>
        %dma_start3A_354 = arith.constant 0 : i32
        %dma_start3A_355 = arith.constant 0 : i32
        %dma_start3A_356 = tpu.memref_slice %arg4[%dma_start3A_354, %dma_start3A_355] : memref<20000x64xbf16, #tpu.memory_space<hbm>> -> memref<20000x64xbf16, #tpu.memory_space<hbm>>
        tpu.enqueue_indirect_dma source(%dma_start3A_356 : memref<20000x64xbf16, #tpu.memory_space<hbm>>) target(%arg12 : memref<125x64xbf16, #tpu.memory_space<vmem>>) offsets(%dma_start3A_353 : memref<125xi32, #tpu.memory_space<vmem>>) semaphore(%arg22 : memref<!tpu.dma_semaphore, #tpu.memory_space<semaphore_mem>>)
      } else {
      }
      %mul3A_127 = arith.constant 5 : i32
      %mul3A_128 = arith.muli %mul3A_127, %scan3A_80 : i32
      %add3A_129 = arith.constant 1 : i32
      %add3A_130 = arith.addi %mul3A_128, %add3A_129 : i32
      %dma_wait3A_131 = arith.constant 0 : i32
      %dma_wait3A_132 = arith.constant 0 : i32
      %dma_wait3A_133 = tpu.memref_slice %arg4[%dma_wait3A_131, %dma_wait3A_132] : memref<20000x64xbf16, #tpu.memory_space<hbm>> -> memref<125x64xbf16, #tpu.memory_space<hbm>>
      %dma_wait3A_134 = arith.constant 0 : i32
      %dma_wait3A_135 = arith.constant 0 : i32
      %dma_wait3A_136 = tpu.memref_slice %arg4[%dma_wait3A_134, %dma_wait3A_135] : memref<20000x64xbf16, #tpu.memory_space<hbm>> -> memref<125x64xbf16, #tpu.memory_space<hbm>>
      tpu.wait_dma2 semaphore(%arg21 : memref<!tpu.dma_semaphore, #tpu.memory_space<semaphore_mem>>) src(%dma_wait3A_136 : memref<125x64xbf16, #tpu.memory_space<hbm>>) dst(%arg11 : memref<125x64xbf16, #tpu.memory_space<vmem>>)
      %dma_start3A_137 = arith.constant 0 : i32
      %dma_start3A_138 = tpu.memref_slice %arg8[%add3A_130, %dma_start3A_137] : memref<160x125xi32, #tpu.memory_space<vmem>> -> memref<1x125xi32, #tpu.memory_space<vmem>>
      %dma_start3A_139 = tpu.memref_squeeze %dma_start3A_138 : memref<1x125xi32, #tpu.memory_space<vmem>> -> memref<125xi32, #tpu.memory_space<vmem>>
      %dma_start3A_140 = arith.constant 0 : i32
      %dma_start3A_141 = arith.constant 0 : i32
      %dma_start3A_142 = tpu.memref_slice %arg18[%dma_start3A_140, %dma_start3A_141] : memref<10240x64xbf16, #tpu.memory_space<vmem_shared>> -> memref<10240x64xbf16, #tpu.memory_space<vmem_shared>>
      tpu.enqueue_indirect_dma source(%arg11 : memref<125x64xbf16, #tpu.memory_space<vmem>>) target(%dma_start3A_142 : memref<10240x64xbf16, #tpu.memory_space<vmem_shared>>) offsets(%dma_start3A_139 : memref<125xi32, #tpu.memory_space<vmem>>) semaphore(%arg26 : memref<!tpu.dma_semaphore, #tpu.memory_space<semaphore_mem>>) {add = true}
      %jit3A_143 = arith.constant 80 : i32
      %div3A_144 = arith.divsi %add3A_130, %jit3A_143 : i32
      %sign3A_145 = arith.constant 0 : i32
      %sign3A_146 = arith.cmpi sgt, %add3A_130, %sign3A_145 : i32
      %sign3A_147 = arith.extui %sign3A_146 : i1 to i32
      %sign3A_148 = arith.constant 0 : i32
      %sign3A_149 = arith.cmpi slt, %add3A_130, %sign3A_148 : i32
      %sign3A_150 = arith.extui %sign3A_149 : i1 to i32
      %sign3A_151 = arith.subi %sign3A_147, %sign3A_150 : i32
      %sign3A_152 = arith.constant 0 : i32
      %sign3A_153 = arith.cmpi sgt, %jit3A_143, %sign3A_152 : i32
      %sign3A_154 = arith.extui %sign3A_153 : i1 to i32
      %sign3A_155 = arith.constant 0 : i32
      %sign3A_156 = arith.cmpi slt, %jit3A_143, %sign3A_155 : i32
      %sign3A_157 = arith.extui %sign3A_156 : i1 to i32
      %sign3A_158 = arith.subi %sign3A_154, %sign3A_157 : i32
      %ne3A_159 = arith.cmpi ne, %sign3A_151, %sign3A_158 : i32
      %rem3A_160 = arith.remsi %add3A_130, %jit3A_143 : i32
      %ne3A_161 = arith.constant 0 : i32
      %ne3A_162 = arith.cmpi ne, %rem3A_160, %ne3A_161 : i32
      %and3A_163 = arith.andi %ne3A_159, %ne3A_162 : i1
      %sub3A_164 = arith.constant 1 : i32
      %sub3A_165 = arith.subi %div3A_144, %sub3A_164 : i32
      %select_n3A_166 = arith.select %and3A_163, %sub3A_165, %div3A_144 : i32
      %eq3A_167 = arith.cmpi eq, %select_n3A_166, %arg0 : i32
      %convert_element_type3A_168 = arith.extui %eq3A_167 : i1 to i32
      %cond3A_169 = arith.constant 0 : i32
      %cond3A_170 = arith.cmpi ne, %convert_element_type3A_168, %cond3A_169 : i32
      scf.if %cond3A_170 {
        %dma_start3A_351 = arith.constant 0 : i32
        %dma_start3A_352 = tpu.memref_slice %arg8[%add3A_130, %dma_start3A_351] : memref<160x125xi32, #tpu.memory_space<vmem>> -> memref<1x125xi32, #tpu.memory_space<vmem>>
        %dma_start3A_353 = tpu.memref_squeeze %dma_start3A_352 : memref<1x125xi32, #tpu.memory_space<vmem>> -> memref<125xi32, #tpu.memory_space<vmem>>
        %dma_start3A_354 = arith.constant 0 : i32
        %dma_start3A_355 = arith.constant 0 : i32
        %dma_start3A_356 = tpu.memref_slice %arg19[%dma_start3A_354, %dma_start3A_355] : memref<10240x16xf32, #tpu.memory_space<vmem_shared>> -> memref<10240x16xf32, #tpu.memory_space<vmem_shared>>
        tpu.enqueue_indirect_dma source(%arg15 : memref<125x16xf32, #tpu.memory_space<vmem>>) target(%dma_start3A_356 : memref<10240x16xf32, #tpu.memory_space<vmem_shared>>) offsets(%dma_start3A_353 : memref<125xi32, #tpu.memory_space<vmem>>) semaphore(%arg30 : memref<!tpu.dma_semaphore, #tpu.memory_space<semaphore_mem>>) {add = true}
      } else {
      }
      %add3A_171 = arith.constant 2 : i32
      %add3A_172 = arith.addi %add3A_130, %add3A_171 : i32
      %ge3A_173 = arith.constant 5 : i32
      %ge3A_174 = arith.cmpi sge, %add3A_172, %ge3A_173 : i32
      %convert_element_type3A_175 = arith.extui %ge3A_174 : i1 to i32
      %cond3A_176 = arith.constant 0 : i32
      %cond3A_177 = arith.cmpi ne, %convert_element_type3A_175, %cond3A_176 : i32
      scf.if %cond3A_177 {
        %dma_wait3A_351 = arith.constant 0 : i32
        %dma_wait3A_352 = arith.constant 0 : i32
        %dma_wait3A_353 = tpu.memref_slice %arg8[%dma_wait3A_351, %dma_wait3A_352] : memref<160x125xi32, #tpu.memory_space<vmem>> -> memref<1x125xi32, #tpu.memory_space<vmem>>
        %dma_wait3A_354 = tpu.memref_squeeze %dma_wait3A_353 : memref<1x125xi32, #tpu.memory_space<vmem>> -> memref<125xi32, #tpu.memory_space<vmem>>
        %dma_wait3A_355 = arith.constant 0 : i32
        %dma_wait3A_356 = arith.constant 0 : i32
        %dma_wait3A_357 = tpu.memref_slice %arg18[%dma_wait3A_355, %dma_wait3A_356] : memref<10240x64xbf16, #tpu.memory_space<vmem_shared>> -> memref<10240x64xbf16, #tpu.memory_space<vmem_shared>>
        tpu.wait_indirect_dma semaphore(%arg28 : memref<!tpu.dma_semaphore, #tpu.memory_space<semaphore_mem>>) src(%arg13 : memref<125x64xbf16, #tpu.memory_space<vmem>>) dst(%dma_wait3A_357 : memref<10240x64xbf16, #tpu.memory_space<vmem_shared>>)
      } else {
      }
      %lt3A_178 = arith.constant 160 : i32
      %lt3A_179 = arith.cmpi slt, %add3A_172, %lt3A_178 : i32
      %convert_element_type3A_180 = arith.extui %lt3A_179 : i1 to i32
      %cond3A_181 = arith.constant 0 : i32
      %cond3A_182 = arith.cmpi ne, %convert_element_type3A_180, %cond3A_181 : i32
      scf.if %cond3A_182 {
        %dma_start3A_351 = arith.constant 0 : i32
        %dma_start3A_352 = tpu.memref_slice %arg9[%add3A_172, %dma_start3A_351] : memref<160x125xi32, #tpu.memory_space<vmem>> -> memref<1x125xi32, #tpu.memory_space<vmem>>
        %dma_start3A_353 = tpu.memref_squeeze %dma_start3A_352 : memref<1x125xi32, #tpu.memory_space<vmem>> -> memref<125xi32, #tpu.memory_space<vmem>>
        %dma_start3A_354 = arith.constant 0 : i32
        %dma_start3A_355 = arith.constant 0 : i32
        %dma_start3A_356 = tpu.memref_slice %arg4[%dma_start3A_354, %dma_start3A_355] : memref<20000x64xbf16, #tpu.memory_space<hbm>> -> memref<20000x64xbf16, #tpu.memory_space<hbm>>
        tpu.enqueue_indirect_dma source(%dma_start3A_356 : memref<20000x64xbf16, #tpu.memory_space<hbm>>) target(%arg13 : memref<125x64xbf16, #tpu.memory_space<vmem>>) offsets(%dma_start3A_353 : memref<125xi32, #tpu.memory_space<vmem>>) semaphore(%arg23 : memref<!tpu.dma_semaphore, #tpu.memory_space<semaphore_mem>>)
      } else {
      }
      %mul3A_183 = arith.constant 5 : i32
      %mul3A_184 = arith.muli %mul3A_183, %scan3A_80 : i32
      %add3A_185 = arith.constant 2 : i32
      %add3A_186 = arith.addi %mul3A_184, %add3A_185 : i32
      %dma_wait3A_187 = arith.constant 0 : i32
      %dma_wait3A_188 = arith.constant 0 : i32
      %dma_wait3A_189 = tpu.memref_slice %arg4[%dma_wait3A_187, %dma_wait3A_188] : memref<20000x64xbf16, #tpu.memory_space<hbm>> -> memref<125x64xbf16, #tpu.memory_space<hbm>>
      %dma_wait3A_190 = arith.constant 0 : i32
      %dma_wait3A_191 = arith.constant 0 : i32
      %dma_wait3A_192 = tpu.memref_slice %arg4[%dma_wait3A_190, %dma_wait3A_191] : memref<20000x64xbf16, #tpu.memory_space<hbm>> -> memref<125x64xbf16, #tpu.memory_space<hbm>>
      tpu.wait_dma2 semaphore(%arg22 : memref<!tpu.dma_semaphore, #tpu.memory_space<semaphore_mem>>) src(%dma_wait3A_192 : memref<125x64xbf16, #tpu.memory_space<hbm>>) dst(%arg12 : memref<125x64xbf16, #tpu.memory_space<vmem>>)
      %dma_start3A_193 = arith.constant 0 : i32
      %dma_start3A_194 = tpu.memref_slice %arg8[%add3A_186, %dma_start3A_193] : memref<160x125xi32, #tpu.memory_space<vmem>> -> memref<1x125xi32, #tpu.memory_space<vmem>>
      %dma_start3A_195 = tpu.memref_squeeze %dma_start3A_194 : memref<1x125xi32, #tpu.memory_space<vmem>> -> memref<125xi32, #tpu.memory_space<vmem>>
      %dma_start3A_196 = arith.constant 0 : i32
      %dma_start3A_197 = arith.constant 0 : i32
      %dma_start3A_198 = tpu.memref_slice %arg18[%dma_start3A_196, %dma_start3A_197] : memref<10240x64xbf16, #tpu.memory_space<vmem_shared>> -> memref<10240x64xbf16, #tpu.memory_space<vmem_shared>>
      tpu.enqueue_indirect_dma source(%arg12 : memref<125x64xbf16, #tpu.memory_space<vmem>>) target(%dma_start3A_198 : memref<10240x64xbf16, #tpu.memory_space<vmem_shared>>) offsets(%dma_start3A_195 : memref<125xi32, #tpu.memory_space<vmem>>) semaphore(%arg27 : memref<!tpu.dma_semaphore, #tpu.memory_space<semaphore_mem>>) {add = true}
      %jit3A_199 = arith.constant 80 : i32
      %div3A_200 = arith.divsi %add3A_186, %jit3A_199 : i32
      %sign3A_201 = arith.constant 0 : i32
      %sign3A_202 = arith.cmpi sgt, %add3A_186, %sign3A_201 : i32
      %sign3A_203 = arith.extui %sign3A_202 : i1 to i32
      %sign3A_204 = arith.constant 0 : i32
      %sign3A_205 = arith.cmpi slt, %add3A_186, %sign3A_204 : i32
      %sign3A_206 = arith.extui %sign3A_205 : i1 to i32
      %sign3A_207 = arith.subi %sign3A_203, %sign3A_206 : i32
      %sign3A_208 = arith.constant 0 : i32
      %sign3A_209 = arith.cmpi sgt, %jit3A_199, %sign3A_208 : i32
      %sign3A_210 = arith.extui %sign3A_209 : i1 to i32
      %sign3A_211 = arith.constant 0 : i32
      %sign3A_212 = arith.cmpi slt, %jit3A_199, %sign3A_211 : i32
      %sign3A_213 = arith.extui %sign3A_212 : i1 to i32
      %sign3A_214 = arith.subi %sign3A_210, %sign3A_213 : i32
      %ne3A_215 = arith.cmpi ne, %sign3A_207, %sign3A_214 : i32
      %rem3A_216 = arith.remsi %add3A_186, %jit3A_199 : i32
      %ne3A_217 = arith.constant 0 : i32
      %ne3A_218 = arith.cmpi ne, %rem3A_216, %ne3A_217 : i32
      %and3A_219 = arith.andi %ne3A_215, %ne3A_218 : i1
      %sub3A_220 = arith.constant 1 : i32
      %sub3A_221 = arith.subi %div3A_200, %sub3A_220 : i32
      %select_n3A_222 = arith.select %and3A_219, %sub3A_221, %div3A_200 : i32
      %eq3A_223 = arith.cmpi eq, %select_n3A_222, %arg0 : i32
      %convert_element_type3A_224 = arith.extui %eq3A_223 : i1 to i32
      %cond3A_225 = arith.constant 0 : i32
      %cond3A_226 = arith.cmpi ne, %convert_element_type3A_224, %cond3A_225 : i32
      scf.if %cond3A_226 {
        %dma_start3A_351 = arith.constant 0 : i32
        %dma_start3A_352 = tpu.memref_slice %arg8[%add3A_186, %dma_start3A_351] : memref<160x125xi32, #tpu.memory_space<vmem>> -> memref<1x125xi32, #tpu.memory_space<vmem>>
        %dma_start3A_353 = tpu.memref_squeeze %dma_start3A_352 : memref<1x125xi32, #tpu.memory_space<vmem>> -> memref<125xi32, #tpu.memory_space<vmem>>
        %dma_start3A_354 = arith.constant 0 : i32
        %dma_start3A_355 = arith.constant 0 : i32
        %dma_start3A_356 = tpu.memref_slice %arg19[%dma_start3A_354, %dma_start3A_355] : memref<10240x16xf32, #tpu.memory_space<vmem_shared>> -> memref<10240x16xf32, #tpu.memory_space<vmem_shared>>
        tpu.enqueue_indirect_dma source(%arg15 : memref<125x16xf32, #tpu.memory_space<vmem>>) target(%dma_start3A_356 : memref<10240x16xf32, #tpu.memory_space<vmem_shared>>) offsets(%dma_start3A_353 : memref<125xi32, #tpu.memory_space<vmem>>) semaphore(%arg30 : memref<!tpu.dma_semaphore, #tpu.memory_space<semaphore_mem>>) {add = true}
      } else {
      }
      %add3A_227 = arith.constant 2 : i32
      %add3A_228 = arith.addi %add3A_186, %add3A_227 : i32
      %ge3A_229 = arith.constant 5 : i32
      %ge3A_230 = arith.cmpi sge, %add3A_228, %ge3A_229 : i32
      %convert_element_type3A_231 = arith.extui %ge3A_230 : i1 to i32
      %cond3A_232 = arith.constant 0 : i32
      %cond3A_233 = arith.cmpi ne, %convert_element_type3A_231, %cond3A_232 : i32
      scf.if %cond3A_233 {
        %dma_wait3A_351 = arith.constant 0 : i32
        %dma_wait3A_352 = arith.constant 0 : i32
        %dma_wait3A_353 = tpu.memref_slice %arg8[%dma_wait3A_351, %dma_wait3A_352] : memref<160x125xi32, #tpu.memory_space<vmem>> -> memref<1x125xi32, #tpu.memory_space<vmem>>
        %dma_wait3A_354 = tpu.memref_squeeze %dma_wait3A_353 : memref<1x125xi32, #tpu.memory_space<vmem>> -> memref<125xi32, #tpu.memory_space<vmem>>
        %dma_wait3A_355 = arith.constant 0 : i32
        %dma_wait3A_356 = arith.constant 0 : i32
        %dma_wait3A_357 = tpu.memref_slice %arg18[%dma_wait3A_355, %dma_wait3A_356] : memref<10240x64xbf16, #tpu.memory_space<vmem_shared>> -> memref<10240x64xbf16, #tpu.memory_space<vmem_shared>>
        tpu.wait_indirect_dma semaphore(%arg29 : memref<!tpu.dma_semaphore, #tpu.memory_space<semaphore_mem>>) src(%arg14 : memref<125x64xbf16, #tpu.memory_space<vmem>>) dst(%dma_wait3A_357 : memref<10240x64xbf16, #tpu.memory_space<vmem_shared>>)
      } else {
      }
      %lt3A_234 = arith.constant 160 : i32
      %lt3A_235 = arith.cmpi slt, %add3A_228, %lt3A_234 : i32
      %convert_element_type3A_236 = arith.extui %lt3A_235 : i1 to i32
      %cond3A_237 = arith.constant 0 : i32
      %cond3A_238 = arith.cmpi ne, %convert_element_type3A_236, %cond3A_237 : i32
      scf.if %cond3A_238 {
        %dma_start3A_351 = arith.constant 0 : i32
        %dma_start3A_352 = tpu.memref_slice %arg9[%add3A_228, %dma_start3A_351] : memref<160x125xi32, #tpu.memory_space<vmem>> -> memref<1x125xi32, #tpu.memory_space<vmem>>
        %dma_start3A_353 = tpu.memref_squeeze %dma_start3A_352 : memref<1x125xi32, #tpu.memory_space<vmem>> -> memref<125xi32, #tpu.memory_space<vmem>>
        %dma_start3A_354 = arith.constant 0 : i32
        %dma_start3A_355 = arith.constant 0 : i32
        %dma_start3A_356 = tpu.memref_slice %arg4[%dma_start3A_354, %dma_start3A_355] : memref<20000x64xbf16, #tpu.memory_space<hbm>> -> memref<20000x64xbf16, #tpu.memory_space<hbm>>
        tpu.enqueue_indirect_dma source(%dma_start3A_356 : memref<20000x64xbf16, #tpu.memory_space<hbm>>) target(%arg14 : memref<125x64xbf16, #tpu.memory_space<vmem>>) offsets(%dma_start3A_353 : memref<125xi32, #tpu.memory_space<vmem>>) semaphore(%arg24 : memref<!tpu.dma_semaphore, #tpu.memory_space<semaphore_mem>>)
      } else {
      }
      %mul3A_239 = arith.constant 5 : i32
      %mul3A_240 = arith.muli %mul3A_239, %scan3A_80 : i32
      %add3A_241 = arith.constant 3 : i32
      %add3A_242 = arith.addi %mul3A_240, %add3A_241 : i32
      %dma_wait3A_243 = arith.constant 0 : i32
      %dma_wait3A_244 = arith.constant 0 : i32
      %dma_wait3A_245 = tpu.memref_slice %arg4[%dma_wait3A_243, %dma_wait3A_244] : memref<20000x64xbf16, #tpu.memory_space<hbm>> -> memref<125x64xbf16, #tpu.memory_space<hbm>>
      %dma_wait3A_246 = arith.constant 0 : i32
      %dma_wait3A_247 = arith.constant 0 : i32
      %dma_wait3A_248 = tpu.memref_slice %arg4[%dma_wait3A_246, %dma_wait3A_247] : memref<20000x64xbf16, #tpu.memory_space<hbm>> -> memref<125x64xbf16, #tpu.memory_space<hbm>>
      tpu.wait_dma2 semaphore(%arg23 : memref<!tpu.dma_semaphore, #tpu.memory_space<semaphore_mem>>) src(%dma_wait3A_248 : memref<125x64xbf16, #tpu.memory_space<hbm>>) dst(%arg13 : memref<125x64xbf16, #tpu.memory_space<vmem>>)
      %dma_start3A_249 = arith.constant 0 : i32
      %dma_start3A_250 = tpu.memref_slice %arg8[%add3A_242, %dma_start3A_249] : memref<160x125xi32, #tpu.memory_space<vmem>> -> memref<1x125xi32, #tpu.memory_space<vmem>>
      %dma_start3A_251 = tpu.memref_squeeze %dma_start3A_250 : memref<1x125xi32, #tpu.memory_space<vmem>> -> memref<125xi32, #tpu.memory_space<vmem>>
      %dma_start3A_252 = arith.constant 0 : i32
      %dma_start3A_253 = arith.constant 0 : i32
      %dma_start3A_254 = tpu.memref_slice %arg18[%dma_start3A_252, %dma_start3A_253] : memref<10240x64xbf16, #tpu.memory_space<vmem_shared>> -> memref<10240x64xbf16, #tpu.memory_space<vmem_shared>>
      tpu.enqueue_indirect_dma source(%arg13 : memref<125x64xbf16, #tpu.memory_space<vmem>>) target(%dma_start3A_254 : memref<10240x64xbf16, #tpu.memory_space<vmem_shared>>) offsets(%dma_start3A_251 : memref<125xi32, #tpu.memory_space<vmem>>) semaphore(%arg28 : memref<!tpu.dma_semaphore, #tpu.memory_space<semaphore_mem>>) {add = true}
      %jit3A_255 = arith.constant 80 : i32
      %div3A_256 = arith.divsi %add3A_242, %jit3A_255 : i32
      %sign3A_257 = arith.constant 0 : i32
      %sign3A_258 = arith.cmpi sgt, %add3A_242, %sign3A_257 : i32
      %sign3A_259 = arith.extui %sign3A_258 : i1 to i32
      %sign3A_260 = arith.constant 0 : i32
      %sign3A_261 = arith.cmpi slt, %add3A_242, %sign3A_260 : i32
      %sign3A_262 = arith.extui %sign3A_261 : i1 to i32
      %sign3A_263 = arith.subi %sign3A_259, %sign3A_262 : i32
      %sign3A_264 = arith.constant 0 : i32
      %sign3A_265 = arith.cmpi sgt, %jit3A_255, %sign3A_264 : i32
      %sign3A_266 = arith.extui %sign3A_265 : i1 to i32
      %sign3A_267 = arith.constant 0 : i32
      %sign3A_268 = arith.cmpi slt, %jit3A_255, %sign3A_267 : i32
      %sign3A_269 = arith.extui %sign3A_268 : i1 to i32
      %sign3A_270 = arith.subi %sign3A_266, %sign3A_269 : i32
      %ne3A_271 = arith.cmpi ne, %sign3A_263, %sign3A_270 : i32
      %rem3A_272 = arith.remsi %add3A_242, %jit3A_255 : i32
      %ne3A_273 = arith.constant 0 : i32
      %ne3A_274 = arith.cmpi ne, %rem3A_272, %ne3A_273 : i32
      %and3A_275 = arith.andi %ne3A_271, %ne3A_274 : i1
      %sub3A_276 = arith.constant 1 : i32
      %sub3A_277 = arith.subi %div3A_256, %sub3A_276 : i32
      %select_n3A_278 = arith.select %and3A_275, %sub3A_277, %div3A_256 : i32
      %eq3A_279 = arith.cmpi eq, %select_n3A_278, %arg0 : i32
      %convert_element_type3A_280 = arith.extui %eq3A_279 : i1 to i32
      %cond3A_281 = arith.constant 0 : i32
      %cond3A_282 = arith.cmpi ne, %convert_element_type3A_280, %cond3A_281 : i32
      scf.if %cond3A_282 {
        %dma_start3A_351 = arith.constant 0 : i32
        %dma_start3A_352 = tpu.memref_slice %arg8[%add3A_242, %dma_start3A_351] : memref<160x125xi32, #tpu.memory_space<vmem>> -> memref<1x125xi32, #tpu.memory_space<vmem>>
        %dma_start3A_353 = tpu.memref_squeeze %dma_start3A_352 : memref<1x125xi32, #tpu.memory_space<vmem>> -> memref<125xi32, #tpu.memory_space<vmem>>
        %dma_start3A_354 = arith.constant 0 : i32
        %dma_start3A_355 = arith.constant 0 : i32
        %dma_start3A_356 = tpu.memref_slice %arg19[%dma_start3A_354, %dma_start3A_355] : memref<10240x16xf32, #tpu.memory_space<vmem_shared>> -> memref<10240x16xf32, #tpu.memory_space<vmem_shared>>
        tpu.enqueue_indirect_dma source(%arg15 : memref<125x16xf32, #tpu.memory_space<vmem>>) target(%dma_start3A_356 : memref<10240x16xf32, #tpu.memory_space<vmem_shared>>) offsets(%dma_start3A_353 : memref<125xi32, #tpu.memory_space<vmem>>) semaphore(%arg30 : memref<!tpu.dma_semaphore, #tpu.memory_space<semaphore_mem>>) {add = true}
      } else {
      }
      %add3A_283 = arith.constant 2 : i32
      %add3A_284 = arith.addi %add3A_242, %add3A_283 : i32
      %ge3A_285 = arith.constant 5 : i32
      %ge3A_286 = arith.cmpi sge, %add3A_284, %ge3A_285 : i32
      %convert_element_type3A_287 = arith.extui %ge3A_286 : i1 to i32
      %cond3A_288 = arith.constant 0 : i32
      %cond3A_289 = arith.cmpi ne, %convert_element_type3A_287, %cond3A_288 : i32
      scf.if %cond3A_289 {
        %dma_wait3A_351 = arith.constant 0 : i32
        %dma_wait3A_352 = arith.constant 0 : i32
        %dma_wait3A_353 = tpu.memref_slice %arg8[%dma_wait3A_351, %dma_wait3A_352] : memref<160x125xi32, #tpu.memory_space<vmem>> -> memref<1x125xi32, #tpu.memory_space<vmem>>
        %dma_wait3A_354 = tpu.memref_squeeze %dma_wait3A_353 : memref<1x125xi32, #tpu.memory_space<vmem>> -> memref<125xi32, #tpu.memory_space<vmem>>
        %dma_wait3A_355 = arith.constant 0 : i32
        %dma_wait3A_356 = arith.constant 0 : i32
        %dma_wait3A_357 = tpu.memref_slice %arg18[%dma_wait3A_355, %dma_wait3A_356] : memref<10240x64xbf16, #tpu.memory_space<vmem_shared>> -> memref<10240x64xbf16, #tpu.memory_space<vmem_shared>>
        tpu.wait_indirect_dma semaphore(%arg25 : memref<!tpu.dma_semaphore, #tpu.memory_space<semaphore_mem>>) src(%arg10 : memref<125x64xbf16, #tpu.memory_space<vmem>>) dst(%dma_wait3A_357 : memref<10240x64xbf16, #tpu.memory_space<vmem_shared>>)
      } else {
      }
      %lt3A_290 = arith.constant 160 : i32
      %lt3A_291 = arith.cmpi slt, %add3A_284, %lt3A_290 : i32
      %convert_element_type3A_292 = arith.extui %lt3A_291 : i1 to i32
      %cond3A_293 = arith.constant 0 : i32
      %cond3A_294 = arith.cmpi ne, %convert_element_type3A_292, %cond3A_293 : i32
      scf.if %cond3A_294 {
        %dma_start3A_351 = arith.constant 0 : i32
        %dma_start3A_352 = tpu.memref_slice %arg9[%add3A_284, %dma_start3A_351] : memref<160x125xi32, #tpu.memory_space<vmem>> -> memref<1x125xi32, #tpu.memory_space<vmem>>
        %dma_start3A_353 = tpu.memref_squeeze %dma_start3A_352 : memref<1x125xi32, #tpu.memory_space<vmem>> -> memref<125xi32, #tpu.memory_space<vmem>>
        %dma_start3A_354 = arith.constant 0 : i32
        %dma_start3A_355 = arith.constant 0 : i32
        %dma_start3A_356 = tpu.memref_slice %arg4[%dma_start3A_354, %dma_start3A_355] : memref<20000x64xbf16, #tpu.memory_space<hbm>> -> memref<20000x64xbf16, #tpu.memory_space<hbm>>
        tpu.enqueue_indirect_dma source(%dma_start3A_356 : memref<20000x64xbf16, #tpu.memory_space<hbm>>) target(%arg10 : memref<125x64xbf16, #tpu.memory_space<vmem>>) offsets(%dma_start3A_353 : memref<125xi32, #tpu.memory_space<vmem>>) semaphore(%arg20 : memref<!tpu.dma_semaphore, #tpu.memory_space<semaphore_mem>>)
      } else {
      }
      %mul3A_295 = arith.constant 5 : i32
      %mul3A_296 = arith.muli %mul3A_295, %scan3A_80 : i32
      %add3A_297 = arith.constant 4 : i32
      %add3A_298 = arith.addi %mul3A_296, %add3A_297 : i32
      %dma_wait3A_299 = arith.constant 0 : i32
      %dma_wait3A_300 = arith.constant 0 : i32
      %dma_wait3A_301 = tpu.memref_slice %arg4[%dma_wait3A_299, %dma_wait3A_300] : memref<20000x64xbf16, #tpu.memory_space<hbm>> -> memref<125x64xbf16, #tpu.memory_space<hbm>>
      %dma_wait3A_302 = arith.constant 0 : i32
      %dma_wait3A_303 = arith.constant 0 : i32
      %dma_wait3A_304 = tpu.memref_slice %arg4[%dma_wait3A_302, %dma_wait3A_303] : memref<20000x64xbf16, #tpu.memory_space<hbm>> -> memref<125x64xbf16, #tpu.memory_space<hbm>>
      tpu.wait_dma2 semaphore(%arg24 : memref<!tpu.dma_semaphore, #tpu.memory_space<semaphore_mem>>) src(%dma_wait3A_304 : memref<125x64xbf16, #tpu.memory_space<hbm>>) dst(%arg14 : memref<125x64xbf16, #tpu.memory_space<vmem>>)
      %dma_start3A_305 = arith.constant 0 : i32
      %dma_start3A_306 = tpu.memref_slice %arg8[%add3A_298, %dma_start3A_305] : memref<160x125xi32, #tpu.memory_space<vmem>> -> memref<1x125xi32, #tpu.memory_space<vmem>>
      %dma_start3A_307 = tpu.memref_squeeze %dma_start3A_306 : memref<1x125xi32, #tpu.memory_space<vmem>> -> memref<125xi32, #tpu.memory_space<vmem>>
      %dma_start3A_308 = arith.constant 0 : i32
      %dma_start3A_309 = arith.constant 0 : i32
      %dma_start3A_310 = tpu.memref_slice %arg18[%dma_start3A_308, %dma_start3A_309] : memref<10240x64xbf16, #tpu.memory_space<vmem_shared>> -> memref<10240x64xbf16, #tpu.memory_space<vmem_shared>>
      tpu.enqueue_indirect_dma source(%arg14 : memref<125x64xbf16, #tpu.memory_space<vmem>>) target(%dma_start3A_310 : memref<10240x64xbf16, #tpu.memory_space<vmem_shared>>) offsets(%dma_start3A_307 : memref<125xi32, #tpu.memory_space<vmem>>) semaphore(%arg29 : memref<!tpu.dma_semaphore, #tpu.memory_space<semaphore_mem>>) {add = true}
      %jit3A_311 = arith.constant 80 : i32
      %div3A_312 = arith.divsi %add3A_298, %jit3A_311 : i32
      %sign3A_313 = arith.constant 0 : i32
      %sign3A_314 = arith.cmpi sgt, %add3A_298, %sign3A_313 : i32
      %sign3A_315 = arith.extui %sign3A_314 : i1 to i32
      %sign3A_316 = arith.constant 0 : i32
      %sign3A_317 = arith.cmpi slt, %add3A_298, %sign3A_316 : i32
      %sign3A_318 = arith.extui %sign3A_317 : i1 to i32
      %sign3A_319 = arith.subi %sign3A_315, %sign3A_318 : i32
      %sign3A_320 = arith.constant 0 : i32
      %sign3A_321 = arith.cmpi sgt, %jit3A_311, %sign3A_320 : i32
      %sign3A_322 = arith.extui %sign3A_321 : i1 to i32
      %sign3A_323 = arith.constant 0 : i32
      %sign3A_324 = arith.cmpi slt, %jit3A_311, %sign3A_323 : i32
      %sign3A_325 = arith.extui %sign3A_324 : i1 to i32
      %sign3A_326 = arith.subi %sign3A_322, %sign3A_325 : i32
      %ne3A_327 = arith.cmpi ne, %sign3A_319, %sign3A_326 : i32
      %rem3A_328 = arith.remsi %add3A_298, %jit3A_311 : i32
      %ne3A_329 = arith.constant 0 : i32
      %ne3A_330 = arith.cmpi ne, %rem3A_328, %ne3A_329 : i32
      %and3A_331 = arith.andi %ne3A_327, %ne3A_330 : i1
      %sub3A_332 = arith.constant 1 : i32
      %sub3A_333 = arith.subi %div3A_312, %sub3A_332 : i32
      %select_n3A_334 = arith.select %and3A_331, %sub3A_333, %div3A_312 : i32
      %eq3A_335 = arith.cmpi eq, %select_n3A_334, %arg0 : i32
      %convert_element_type3A_336 = arith.extui %eq3A_335 : i1 to i32
      %cond3A_337 = arith.constant 0 : i32
      %cond3A_338 = arith.cmpi ne, %convert_element_type3A_336, %cond3A_337 : i32
      scf.if %cond3A_338 {
        %dma_start3A_351 = arith.constant 0 : i32
        %dma_start3A_352 = tpu.memref_slice %arg8[%add3A_298, %dma_start3A_351] : memref<160x125xi32, #tpu.memory_space<vmem>> -> memref<1x125xi32, #tpu.memory_space<vmem>>
        %dma_start3A_353 = tpu.memref_squeeze %dma_start3A_352 : memref<1x125xi32, #tpu.memory_space<vmem>> -> memref<125xi32, #tpu.memory_space<vmem>>
        %dma_start3A_354 = arith.constant 0 : i32
        %dma_start3A_355 = arith.constant 0 : i32
        %dma_start3A_356 = tpu.memref_slice %arg19[%dma_start3A_354, %dma_start3A_355] : memref<10240x16xf32, #tpu.memory_space<vmem_shared>> -> memref<10240x16xf32, #tpu.memory_space<vmem_shared>>
        tpu.enqueue_indirect_dma source(%arg15 : memref<125x16xf32, #tpu.memory_space<vmem>>) target(%dma_start3A_356 : memref<10240x16xf32, #tpu.memory_space<vmem_shared>>) offsets(%dma_start3A_353 : memref<125xi32, #tpu.memory_space<vmem>>) semaphore(%arg30 : memref<!tpu.dma_semaphore, #tpu.memory_space<semaphore_mem>>) {add = true}
      } else {
      }
      %add3A_339 = arith.constant 2 : i32
      %add3A_340 = arith.addi %add3A_298, %add3A_339 : i32
      %ge3A_341 = arith.constant 5 : i32
      %ge3A_342 = arith.cmpi sge, %add3A_340, %ge3A_341 : i32
      %convert_element_type3A_343 = arith.extui %ge3A_342 : i1 to i32
      %cond3A_344 = arith.constant 0 : i32
      %cond3A_345 = arith.cmpi ne, %convert_element_type3A_343, %cond3A_344 : i32
      scf.if %cond3A_345 {
        %dma_wait3A_351 = arith.constant 0 : i32
        %dma_wait3A_352 = arith.constant 0 : i32
        %dma_wait3A_353 = tpu.memref_slice %arg8[%dma_wait3A_351, %dma_wait3A_352] : memref<160x125xi32, #tpu.memory_space<vmem>> -> memref<1x125xi32, #tpu.memory_space<vmem>>
        %dma_wait3A_354 = tpu.memref_squeeze %dma_wait3A_353 : memref<1x125xi32, #tpu.memory_space<vmem>> -> memref<125xi32, #tpu.memory_space<vmem>>
        %dma_wait3A_355 = arith.constant 0 : i32
        %dma_wait3A_356 = arith.constant 0 : i32
        %dma_wait3A_357 = tpu.memref_slice %arg18[%dma_wait3A_355, %dma_wait3A_356] : memref<10240x64xbf16, #tpu.memory_space<vmem_shared>> -> memref<10240x64xbf16, #tpu.memory_space<vmem_shared>>
        tpu.wait_indirect_dma semaphore(%arg26 : memref<!tpu.dma_semaphore, #tpu.memory_space<semaphore_mem>>) src(%arg11 : memref<125x64xbf16, #tpu.memory_space<vmem>>) dst(%dma_wait3A_357 : memref<10240x64xbf16, #tpu.memory_space<vmem_shared>>)
      } else {
      }
      %lt3A_346 = arith.constant 160 : i32
      %lt3A_347 = arith.cmpi slt, %add3A_340, %lt3A_346 : i32
      %convert_element_type3A_348 = arith.extui %lt3A_347 : i1 to i32
      %cond3A_349 = arith.constant 0 : i32
      %cond3A_350 = arith.cmpi ne, %convert_element_type3A_348, %cond3A_349 : i32
      scf.if %cond3A_350 {
        %dma_start3A_351 = arith.constant 0 : i32
        %dma_start3A_352 = tpu.memref_slice %arg9[%add3A_340, %dma_start3A_351] : memref<160x125xi32, #tpu.memory_space<vmem>> -> memref<1x125xi32, #tpu.memory_space<vmem>>
        %dma_start3A_353 = tpu.memref_squeeze %dma_start3A_352 : memref<1x125xi32, #tpu.memory_space<vmem>> -> memref<125xi32, #tpu.memory_space<vmem>>
        %dma_start3A_354 = arith.constant 0 : i32
        %dma_start3A_355 = arith.constant 0 : i32
        %dma_start3A_356 = tpu.memref_slice %arg4[%dma_start3A_354, %dma_start3A_355] : memref<20000x64xbf16, #tpu.memory_space<hbm>> -> memref<20000x64xbf16, #tpu.memory_space<hbm>>
        tpu.enqueue_indirect_dma source(%dma_start3A_356 : memref<20000x64xbf16, #tpu.memory_space<hbm>>) target(%arg11 : memref<125x64xbf16, #tpu.memory_space<vmem>>) offsets(%dma_start3A_353 : memref<125xi32, #tpu.memory_space<vmem>>) semaphore(%arg21 : memref<!tpu.dma_semaphore, #tpu.memory_space<semaphore_mem>>)
      } else {
      }
    }
    %scan3A_45 = arith.constant 32 : i32
    %dma_wait3A = arith.constant 0 : i32
    %dma_wait3A_46 = arith.constant 0 : i32
    %dma_wait3A_47 = tpu.memref_slice %arg8[%dma_wait3A, %dma_wait3A_46] : memref<160x125xi32, #tpu.memory_space<vmem>> -> memref<1x125xi32, #tpu.memory_space<vmem>>
    %dma_wait3A_48 = tpu.memref_squeeze %dma_wait3A_47 : memref<1x125xi32, #tpu.memory_space<vmem>> -> memref<125xi32, #tpu.memory_space<vmem>>
    %dma_wait3A_49 = arith.constant 0 : i32
    %dma_wait3A_50 = arith.constant 0 : i32
    %dma_wait3A_51 = tpu.memref_slice %arg18[%dma_wait3A_49, %dma_wait3A_50] : memref<10240x64xbf16, #tpu.memory_space<vmem_shared>> -> memref<10240x64xbf16, #tpu.memory_space<vmem_shared>>
    tpu.wait_indirect_dma semaphore(%arg27 : memref<!tpu.dma_semaphore, #tpu.memory_space<semaphore_mem>>) src(%arg12 : memref<125x64xbf16, #tpu.memory_space<vmem>>) dst(%dma_wait3A_51 : memref<10240x64xbf16, #tpu.memory_space<vmem_shared>>)
    %dma_wait3A_52 = arith.constant 0 : i32
    %dma_wait3A_53 = arith.constant 0 : i32
    %dma_wait3A_54 = tpu.memref_slice %arg8[%dma_wait3A_52, %dma_wait3A_53] : memref<160x125xi32, #tpu.memory_space<vmem>> -> memref<1x125xi32, #tpu.memory_space<vmem>>
    %dma_wait3A_55 = tpu.memref_squeeze %dma_wait3A_54 : memref<1x125xi32, #tpu.memory_space<vmem>> -> memref<125xi32, #tpu.memory_space<vmem>>
    %dma_wait3A_56 = arith.constant 0 : i32
    %dma_wait3A_57 = arith.constant 0 : i32
    %dma_wait3A_58 = tpu.memref_slice %arg18[%dma_wait3A_56, %dma_wait3A_57] : memref<10240x64xbf16, #tpu.memory_space<vmem_shared>> -> memref<10240x64xbf16, #tpu.memory_space<vmem_shared>>
    tpu.wait_indirect_dma semaphore(%arg28 : memref<!tpu.dma_semaphore, #tpu.memory_space<semaphore_mem>>) src(%arg13 : memref<125x64xbf16, #tpu.memory_space<vmem>>) dst(%dma_wait3A_58 : memref<10240x64xbf16, #tpu.memory_space<vmem_shared>>)
    %dma_wait3A_59 = arith.constant 0 : i32
    %dma_wait3A_60 = arith.constant 0 : i32
    %dma_wait3A_61 = tpu.memref_slice %arg8[%dma_wait3A_59, %dma_wait3A_60] : memref<160x125xi32, #tpu.memory_space<vmem>> -> memref<1x125xi32, #tpu.memory_space<vmem>>
    %dma_wait3A_62 = tpu.memref_squeeze %dma_wait3A_61 : memref<1x125xi32, #tpu.memory_space<vmem>> -> memref<125xi32, #tpu.memory_space<vmem>>
    %dma_wait3A_63 = arith.constant 0 : i32
    %dma_wait3A_64 = arith.constant 0 : i32
    %dma_wait3A_65 = tpu.memref_slice %arg18[%dma_wait3A_63, %dma_wait3A_64] : memref<10240x64xbf16, #tpu.memory_space<vmem_shared>> -> memref<10240x64xbf16, #tpu.memory_space<vmem_shared>>
    tpu.wait_indirect_dma semaphore(%arg29 : memref<!tpu.dma_semaphore, #tpu.memory_space<semaphore_mem>>) src(%arg14 : memref<125x64xbf16, #tpu.memory_space<vmem>>) dst(%dma_wait3A_65 : memref<10240x64xbf16, #tpu.memory_space<vmem_shared>>)
    %scan3A_66 = arith.constant 0 : i32
    %scan3A_67 = arith.constant 0 : i32
    %scan3A_68 = arith.constant 80 : i32
    %scan3A_69 = arith.addi %scan3A_67, %scan3A_68 : i32
    %scan3A_70 = arith.constant 1 : i32
    scf.for %scan3A_80 = %scan3A_67 to %scan3A_69 step %scan3A_70  : i32 {
      %dma_wait3A_81 = arith.constant 0 : i32
      %dma_wait3A_82 = arith.constant 0 : i32
      %dma_wait3A_83 = tpu.memref_slice %arg8[%dma_wait3A_81, %dma_wait3A_82] : memref<160x125xi32, #tpu.memory_space<vmem>> -> memref<1x125xi32, #tpu.memory_space<vmem>>
      %dma_wait3A_84 = tpu.memref_squeeze %dma_wait3A_83 : memref<1x125xi32, #tpu.memory_space<vmem>> -> memref<125xi32, #tpu.memory_space<vmem>>
      %dma_wait3A_85 = arith.constant 0 : i32
      %dma_wait3A_86 = arith.constant 0 : i32
      %dma_wait3A_87 = tpu.memref_slice %arg19[%dma_wait3A_85, %dma_wait3A_86] : memref<10240x16xf32, #tpu.memory_space<vmem_shared>> -> memref<10240x16xf32, #tpu.memory_space<vmem_shared>>
      tpu.wait_indirect_dma semaphore(%arg30 : memref<!tpu.dma_semaphore, #tpu.memory_space<semaphore_mem>>) src(%arg15 : memref<125x16xf32, #tpu.memory_space<vmem>>) dst(%dma_wait3A_87 : memref<10240x16xf32, #tpu.memory_space<vmem_shared>>)
    }
    %scan3A_71 = arith.constant 80 : i32
    %barrier3A_72 = arith.constant 0 : index
    tpu.barrier barrier_id(%barrier3A_72)
    %eq3A = arith.constant 0 : i32
    %eq3A_73 = arith.cmpi eq, %arg0, %eq3A : i32
    %convert_element_type3A = arith.extui %eq3A_73 : i1 to i32
    %cond3A = arith.constant 0 : i32
    %cond3A_74 = arith.cmpi ne, %convert_element_type3A, %cond3A : i32
    scf.if %cond3A_74 {
      "tpu.region"() ({
        %run_scoped3A = tpu.sem_alloc : memref<!tpu.dma_semaphore, #tpu.memory_space<semaphore_mem>>
        %dma_start3A_80 = arith.constant 0 : i32
        %dma_start3A_81 = tpu.memref_slice %arg5[%mul3A_11, %dma_start3A_80] : memref<10240x128xbf16, #tpu.memory_space<hbm>> -> memref<640x64xbf16, #tpu.memory_space<hbm>>
        %dma_start3A_82 = arith.constant 0 : i32
        %dma_start3A_83 = tpu.memref_slice %arg18[%mul3A_11, %dma_start3A_82] : memref<10240x64xbf16, #tpu.memory_space<vmem_shared>> -> memref<640x64xbf16, #tpu.memory_space<vmem_shared>>
        tpu.enqueue_dma source(%dma_start3A_83 : memref<640x64xbf16, #tpu.memory_space<vmem_shared>>) target(%dma_start3A_81 : memref<640x64xbf16, #tpu.memory_space<hbm>>) target_semaphore(%run_scoped3A : memref<!tpu.dma_semaphore, #tpu.memory_space<semaphore_mem>>)
        %dma_wait3A_84 = arith.constant 0 : i32
        %dma_wait3A_85 = tpu.memref_slice %arg5[%mul3A_11, %dma_wait3A_84] : memref<10240x128xbf16, #tpu.memory_space<hbm>> -> memref<640x64xbf16, #tpu.memory_space<hbm>>
        %dma_wait3A_86 = arith.constant 0 : i32
        %dma_wait3A_87 = tpu.memref_slice %arg18[%mul3A_11, %dma_wait3A_86] : memref<10240x64xbf16, #tpu.memory_space<vmem_shared>> -> memref<640x64xbf16, #tpu.memory_space<vmem_shared>>
        tpu.wait_dma2 semaphore(%run_scoped3A : memref<!tpu.dma_semaphore, #tpu.memory_space<semaphore_mem>>) src(%dma_wait3A_87 : memref<640x64xbf16, #tpu.memory_space<vmem_shared>>) dst(%dma_wait3A_85 : memref<640x64xbf16, #tpu.memory_space<hbm>>)
        tpu.yield
      }) : () -> ()
      "tpu.region"() ({
        %run_scoped3A = tpu.sem_alloc : memref<!tpu.dma_semaphore, #tpu.memory_space<semaphore_mem>>
        %dma_start3A_80 = arith.constant 0 : i32
        %dma_start3A_81 = tpu.memref_slice %arg6[%mul3A_11, %dma_start3A_80] : memref<10240x16xf32, #tpu.memory_space<hbm>> -> memref<640x16xf32, #tpu.memory_space<hbm>>
        %dma_start3A_82 = arith.constant 0 : i32
        %dma_start3A_83 = tpu.memref_slice %arg19[%mul3A_11, %dma_start3A_82] : memref<10240x16xf32, #tpu.memory_space<vmem_shared>> -> memref<640x16xf32, #tpu.memory_space<vmem_shared>>
        tpu.enqueue_dma source(%dma_start3A_83 : memref<640x16xf32, #tpu.memory_space<vmem_shared>>) target(%dma_start3A_81 : memref<640x16xf32, #tpu.memory_space<hbm>>) target_semaphore(%run_scoped3A : memref<!tpu.dma_semaphore, #tpu.memory_space<semaphore_mem>>)
        %dma_wait3A_84 = arith.constant 0 : i32
        %dma_wait3A_85 = tpu.memref_slice %arg6[%mul3A_11, %dma_wait3A_84] : memref<10240x16xf32, #tpu.memory_space<hbm>> -> memref<640x16xf32, #tpu.memory_space<hbm>>
        %dma_wait3A_86 = arith.constant 0 : i32
        %dma_wait3A_87 = tpu.memref_slice %arg19[%mul3A_11, %dma_wait3A_86] : memref<10240x16xf32, #tpu.memory_space<vmem_shared>> -> memref<640x16xf32, #tpu.memory_space<vmem_shared>>
        tpu.wait_dma2 semaphore(%run_scoped3A : memref<!tpu.dma_semaphore, #tpu.memory_space<semaphore_mem>>) src(%dma_wait3A_87 : memref<640x16xf32, #tpu.memory_space<vmem_shared>>) dst(%dma_wait3A_85 : memref<640x16xf32, #tpu.memory_space<hbm>>)
        tpu.yield
      }) : () -> ()
    } else {
    }
    %eq3A_75 = arith.constant 1 : i32
    %eq3A_76 = arith.cmpi eq, %arg0, %eq3A_75 : i32
    %convert_element_type3A_77 = arith.extui %eq3A_76 : i1 to i32
    %cond3A_78 = arith.constant 0 : i32
    %cond3A_79 = arith.cmpi ne, %convert_element_type3A_77, %cond3A_78 : i32
    scf.if %cond3A_79 {
      "tpu.region"() ({
        %run_scoped3A = tpu.sem_alloc : memref<!tpu.dma_semaphore, #tpu.memory_space<semaphore_mem>>
        %dma_start3A_80 = arith.constant 64 : i32
        %dma_start3A_81 = tpu.memref_slice %arg5[%mul3A_11, %dma_start3A_80] : memref<10240x128xbf16, #tpu.memory_space<hbm>> -> memref<640x64xbf16, #tpu.memory_space<hbm>>
        %dma_start3A_82 = arith.constant 0 : i32
        %dma_start3A_83 = tpu.memref_slice %arg18[%mul3A_11, %dma_start3A_82] : memref<10240x64xbf16, #tpu.memory_space<vmem_shared>> -> memref<640x64xbf16, #tpu.memory_space<vmem_shared>>
        tpu.enqueue_dma source(%dma_start3A_83 : memref<640x64xbf16, #tpu.memory_space<vmem_shared>>) target(%dma_start3A_81 : memref<640x64xbf16, #tpu.memory_space<hbm>>) target_semaphore(%run_scoped3A : memref<!tpu.dma_semaphore, #tpu.memory_space<semaphore_mem>>)
        %dma_wait3A_84 = arith.constant 64 : i32
        %dma_wait3A_85 = tpu.memref_slice %arg5[%mul3A_11, %dma_wait3A_84] : memref<10240x128xbf16, #tpu.memory_space<hbm>> -> memref<640x64xbf16, #tpu.memory_space<hbm>>
        %dma_wait3A_86 = arith.constant 0 : i32
        %dma_wait3A_87 = tpu.memref_slice %arg18[%mul3A_11, %dma_wait3A_86] : memref<10240x64xbf16, #tpu.memory_space<vmem_shared>> -> memref<640x64xbf16, #tpu.memory_space<vmem_shared>>
        tpu.wait_dma2 semaphore(%run_scoped3A : memref<!tpu.dma_semaphore, #tpu.memory_space<semaphore_mem>>) src(%dma_wait3A_87 : memref<640x64xbf16, #tpu.memory_space<vmem_shared>>) dst(%dma_wait3A_85 : memref<640x64xbf16, #tpu.memory_space<hbm>>)
        tpu.yield
      }) : () -> ()
      "tpu.region"() ({
        %run_scoped3A = tpu.sem_alloc : memref<!tpu.dma_semaphore, #tpu.memory_space<semaphore_mem>>
        %dma_start3A_80 = arith.constant 0 : i32
        %dma_start3A_81 = tpu.memref_slice %arg7[%mul3A_11, %dma_start3A_80] : memref<10240x16xf32, #tpu.memory_space<hbm>> -> memref<640x16xf32, #tpu.memory_space<hbm>>
        %dma_start3A_82 = arith.constant 0 : i32
        %dma_start3A_83 = tpu.memref_slice %arg19[%mul3A_11, %dma_start3A_82] : memref<10240x16xf32, #tpu.memory_space<vmem_shared>> -> memref<640x16xf32, #tpu.memory_space<vmem_shared>>
        tpu.enqueue_dma source(%dma_start3A_83 : memref<640x16xf32, #tpu.memory_space<vmem_shared>>) target(%dma_start3A_81 : memref<640x16xf32, #tpu.memory_space<hbm>>) target_semaphore(%run_scoped3A : memref<!tpu.dma_semaphore, #tpu.memory_space<semaphore_mem>>)
        %dma_wait3A_84 = arith.constant 0 : i32
        %dma_wait3A_85 = tpu.memref_slice %arg7[%mul3A_11, %dma_wait3A_84] : memref<10240x16xf32, #tpu.memory_space<hbm>> -> memref<640x16xf32, #tpu.memory_space<hbm>>
        %dma_wait3A_86 = arith.constant 0 : i32
        %dma_wait3A_87 = tpu.memref_slice %arg19[%mul3A_11, %dma_wait3A_86] : memref<10240x16xf32, #tpu.memory_space<vmem_shared>> -> memref<640x16xf32, #tpu.memory_space<vmem_shared>>
        tpu.wait_dma2 semaphore(%run_scoped3A : memref<!tpu.dma_semaphore, #tpu.memory_space<semaphore_mem>>) src(%dma_wait3A_87 : memref<640x16xf32, #tpu.memory_space<vmem_shared>>) dst(%dma_wait3A_85 : memref<640x16xf32, #tpu.memory_space<hbm>>)
        tpu.yield
      }) : () -> ()
    } else {
    }
    return
  }
}

module attributes {stable_mosaic.version = 14 : i64} {
  func.func @_tc_xw1(%arg0: i32, %arg1: memref<1000x128xf32, #tpu.memory_space<vmem>>, %arg2: memref<128x128xf32, #tpu.memory_space<vmem>>, %arg3: memref<1x128xf32, #tpu.memory_space<vmem>>, %arg4: memref<1000x128xf32, #tpu.memory_space<vmem>>) attributes {dimension_semantics = [#tpu.dimension_semantics<arbitrary>], iteration_bounds = array<i64: 10>, scalar_prefetch = 0 : i64, scratch_operands = 0 : i64, tpu.core_type = #tpu.core_type<tc>, window_params = [{transform_indices = @transform_0, window_bounds = array<i64: 1000, 128>}, {pipeline_mode = #tpu.pipeline_mode<synchronous>, transform_indices = @transform_1, window_bounds = array<i64: 128, 128>}, {pipeline_mode = #tpu.pipeline_mode<synchronous>, transform_indices = @transform_2, window_bounds = array<i64: 1, 128>}, {transform_indices = @transform_3, window_bounds = array<i64: 1000, 128>}]} {
    %get3A = arith.constant 0 : index
    %get3A_0 = arith.constant 0 : index
    %get3A_1 = vector.load %arg1[%get3A, %get3A_0] : memref<1000x128xf32, #tpu.memory_space<vmem>>, vector<1000x128xf32>
    %get3A_2 = arith.constant 0 : index
    %get3A_3 = arith.constant 0 : index
    %get3A_4 = vector.load %arg2[%get3A_2, %get3A_3] : memref<128x128xf32, #tpu.memory_space<vmem>>, vector<128x128xf32>
    %dot_general3A = arith.constant dense<0.000000e+00> : vector<1000x128xf32>
    %dot_general3A_5 = tpu.matmul %get3A_1, %get3A_4, %dot_general3A {dimension_numbers = #tpu.dot_dimension_numbers<[1], [0], [0], [1], [0, 0, 1, 1], [], []>, transpose_lhs_hint = false} : vector<1000x128xf32>, vector<128x128xf32>, vector<1000x128xf32> -> vector<1000x128xf32>
    %get3A_6 = arith.constant 0 : index
    %get3A_7 = arith.constant 0 : index
    %get3A_8 = vector.load %arg3[%get3A_6, %get3A_7] : memref<1x128xf32, #tpu.memory_space<vmem>>, vector<1x128xf32>
    %add3A = vector.broadcast %get3A_8 : vector<1x128xf32> to vector<1000x128xf32>
    %add3A_9 = arith.addf %dot_general3A_5, %add3A : vector<1000x128xf32>
    %swap3A = arith.constant 0 : index
    %swap3A_10 = arith.constant 0 : index
    %swap3A_11 = vector.load %arg4[%swap3A, %swap3A_10] : memref<1000x128xf32, #tpu.memory_space<vmem>>, vector<1000x128xf32>
    tpu.vector_store %arg4[%swap3A, %swap3A_10], %add3A_9 {strides = array<i32>} : memref<1000x128xf32, #tpu.memory_space<vmem>>, vector<1000x128xf32>,
    return
  }
  func.func @transform_0(%arg0: i32) -> (i32, i32) {
    %c0_i32 = arith.constant 0 : i32
    %c0_i32_0 = arith.constant 0 : i32
    return %arg0, %c0_i32 : i32, i32
  }
  func.func @transform_1(%arg0: i32) -> (i32, i32) {
    %c0_i32 = arith.constant 0 : i32
    %c0_i32_0 = arith.constant 0 : i32
    %c0_i32_1 = arith.constant 0 : i32
    return %c0_i32, %c0_i32_0 : i32, i32
  }
  func.func @transform_2(%arg0: i32) -> (i32, i32) {
    %c0_i32 = arith.constant 0 : i32
    %c0_i32_0 = arith.constant 0 : i32
    %c0_i32_1 = arith.constant 0 : i32
    return %c0_i32, %c0_i32_0 : i32, i32
  }
  func.func @transform_3(%arg0: i32) -> (i32, i32) {
    %c0_i32 = arith.constant 0 : i32
    %c0_i32_0 = arith.constant 0 : i32
    return %arg0, %c0_i32 : i32, i32
  }
}

module attributes {stable_mosaic.version = 14 : i64} {
  func.func @_tc_tail(%arg0: i32, %arg1: memref<1000x128xf32, #tpu.memory_space<vmem>>, %arg2: memref<1000x128xbf16, #tpu.memory_space<vmem>>, %arg3: memref<1000x16xf32, #tpu.memory_space<vmem>>, %arg4: memref<1000x16xf32, #tpu.memory_space<vmem>>, %arg5: memref<128x128xf32, #tpu.memory_space<vmem>>, %arg6: memref<1000x128xf32, #tpu.memory_space<vmem>>) attributes {dimension_semantics = [#tpu.dimension_semantics<arbitrary>], iteration_bounds = array<i64: 10>, scalar_prefetch = 0 : i64, scratch_operands = 0 : i64, tpu.core_type = #tpu.core_type<tc>, window_params = [{transform_indices = @transform_0, window_bounds = array<i64: 1000, 128>}, {transform_indices = @transform_1, window_bounds = array<i64: 1000, 128>}, {transform_indices = @transform_2, window_bounds = array<i64: 1000, 16>}, {transform_indices = @transform_3, window_bounds = array<i64: 1000, 16>}, {pipeline_mode = #tpu.pipeline_mode<synchronous>, transform_indices = @transform_4, window_bounds = array<i64: 128, 128>}, {transform_indices = @transform_5, window_bounds = array<i64: 1000, 128>}]} {
    %get3A = arith.constant 0 : index
    %get3A_0 = arith.constant 0 : index
    %get3A_1 = vector.load %arg3[%get3A, %get3A_0] : memref<1000x16xf32, #tpu.memory_space<vmem>>, vector<1000x16xf32>
    %slice3A = vector.extract_strided_slice %get3A_1 {offsets = [0, 0], sizes = [1000, 1], strides = [1, 1]} : vector<1000x16xf32> to vector<1000x1xf32>
    %get3A_2 = arith.constant 0 : index
    %get3A_3 = arith.constant 0 : index
    %get3A_4 = vector.load %arg4[%get3A_2, %get3A_3] : memref<1000x16xf32, #tpu.memory_space<vmem>>, vector<1000x16xf32>
    %slice3A_5 = vector.extract_strided_slice %get3A_4 {offsets = [0, 0], sizes = [1000, 1], strides = [1, 1]} : vector<1000x16xf32> to vector<1000x1xf32>
    %add3A = arith.addf %slice3A, %slice3A_5 : vector<1000x1xf32>
    %add3A_6 = arith.constant 9.99999993E-9 : f32
    %add3A_7 = vector.broadcast %add3A_6 : f32 to vector<1000x1xf32>
    %add3A_8 = arith.addf %add3A, %add3A_7 : vector<1000x1xf32>
    %div3A = arith.constant 1.000000e+00 : f32
    %div3A_9 = vector.broadcast %div3A : f32 to vector<1000x1xf32>
    %div3A_10 = arith.divf %div3A_9, %add3A_8 : vector<1000x1xf32>
    %get3A_11 = arith.constant 0 : index
    %get3A_12 = arith.constant 0 : index
    %get3A_13 = vector.load %arg2[%get3A_11, %get3A_12] : memref<1000x128xbf16, #tpu.memory_space<vmem>>, vector<1000x128xbf16>
    %convert_element_type3A = arith.extf %get3A_13 : vector<1000x128xbf16> to vector<1000x128xf32>
    %mul3A = vector.broadcast %div3A_10 : vector<1000x1xf32> to vector<1000x128xf32>
    %mul3A_14 = arith.mulf %convert_element_type3A, %mul3A : vector<1000x128xf32>
    %get3A_15 = arith.constant 0 : index
    %get3A_16 = arith.constant 0 : index
    %get3A_17 = vector.load %arg1[%get3A_15, %get3A_16] : memref<1000x128xf32, #tpu.memory_space<vmem>>, vector<1000x128xf32>
    %get3A_18 = arith.constant 0 : index
    %get3A_19 = arith.constant 0 : index
    %get3A_20 = vector.load %arg5[%get3A_18, %get3A_19] : memref<128x128xf32, #tpu.memory_space<vmem>>, vector<128x128xf32>
    %dot_general3A = arith.constant dense<0.000000e+00> : vector<1000x128xf32>
    %dot_general3A_21 = tpu.matmul %mul3A_14, %get3A_20, %dot_general3A {dimension_numbers = #tpu.dot_dimension_numbers<[1], [0], [0], [1], [0, 0, 1, 1], [], []>, transpose_lhs_hint = false} : vector<1000x128xf32>, vector<128x128xf32>, vector<1000x128xf32> -> vector<1000x128xf32>
    %add3A_22 = arith.addf %get3A_17, %dot_general3A_21 : vector<1000x128xf32>
    %max3A = arith.constant 0.000000e+00 : f32
    %max3A_23 = vector.broadcast %max3A : f32 to vector<1000x128xf32>
    %max3A_24 = arith.maximumf %add3A_22, %max3A_23 : vector<1000x128xf32>
    %swap3A = arith.constant 0 : index
    %swap3A_25 = arith.constant 0 : index
    %swap3A_26 = vector.load %arg6[%swap3A, %swap3A_25] : memref<1000x128xf32, #tpu.memory_space<vmem>>, vector<1000x128xf32>
    tpu.vector_store %arg6[%swap3A, %swap3A_25], %max3A_24 {strides = array<i32>} : memref<1000x128xf32, #tpu.memory_space<vmem>>, vector<1000x128xf32>,
    return
  }
  func.func @transform_0(%arg0: i32) -> (i32, i32) {
    %c0_i32 = arith.constant 0 : i32
    %c0_i32_0 = arith.constant 0 : i32
    return %arg0, %c0_i32 : i32, i32
  }
  func.func @transform_1(%arg0: i32) -> (i32, i32) {
    %c0_i32 = arith.constant 0 : i32
    %c0_i32_0 = arith.constant 0 : i32
    return %arg0, %c0_i32 : i32, i32
  }
  func.func @transform_2(%arg0: i32) -> (i32, i32) {
    %c0_i32 = arith.constant 0 : i32
    %c0_i32_0 = arith.constant 0 : i32
    return %arg0, %c0_i32 : i32, i32
  }
  func.func @transform_3(%arg0: i32) -> (i32, i32) {
    %c0_i32 = arith.constant 0 : i32
    %c0_i32_0 = arith.constant 0 : i32
    return %arg0, %c0_i32 : i32, i32
  }
  func.func @transform_4(%arg0: i32) -> (i32, i32) {
    %c0_i32 = arith.constant 0 : i32
    %c0_i32_0 = arith.constant 0 : i32
    %c0_i32_1 = arith.constant 0 : i32
    return %c0_i32, %c0_i32_0 : i32, i32
  }
  func.func @transform_5(%arg0: i32) -> (i32, i32) {
    %c0_i32 = arith.constant 0 : i32
    %c0_i32_0 = arith.constant 0 : i32
    return %arg0, %c0_i32 : i32, i32
  }
}

</mosaic_0001>

<sc_bundles>
// kernel: kernel.5.cloned.1.call-start
scs
__scs_entry_jumppad:
0x0: {  	(pc) =	sbr.rel $0x88, $3  }
0x1: {  	(tag) =	ssettag $0x0;
	lr =	simm.s32 $0x1  }
0x2: {  	[smem:$0x3F9D] =	sst lr;
	_ =	strace $0xD0000000  }
0x3: {  	_ = 	snop  }
0x4: {  	_ = 	snop  }
0x5: {  	_ = 	snop  }
0x6: {  	_ = 	snop  }
0x7: {  	_ = 	snop  }
__scs_overlays_trampoline_lowered:
0x8: {  	[smem:$0x3FAC] =	sst s0  }
0x9: {  	[smem:$0x3FAD] =	sst s1  }
0xa: {  	[smem:$0x3FAE] =	sst s2  }
0xb: {  	[smem:$0x3FAF] =	sst s3  }
0xc: {  	[smem:$0x3FB0] =	sst s4  }
0xd: {  	[smem:$0x3FB1] =	sst s5  }
0xe: {  	[smem:$0x3FB2] =	sst s6  }
0xf: {  	[smem:$0x3FB3] =	sst s7  }
0x10: {  	[smem:$0x3FB4] =	sst s8  }
0x11: {  	[smem:$0x3FB5] =	sst s9;
	s0 =	simm.s32 @!p0 $0x0  }
0x12: {  	s1 =	sld [smem:$0x3F9B];
	s0 =	simm.s32 @p0 $0x1  }
0x13: {  	[smem:$0x3FB6] =	sst s0;
	s0 =	simm.s32 @!p1 $0x0  }
0x14: {  	s2 =	sld [smem:$0x3F9A];
	s0 =	simm.s32 @p1 $0x1  }
0x15: {  	[smem:$0x3FB7] =	sst s0;
	s0 =	simm.s32 @!p2 $0x0  }
0x16: {  	s3 =	sld [smem:$0x3FDB];
	s0 =	simm.s32 @p2 $0x1  }
0x17: {  	s4 =	simm.s32 $0x1BF5;
	[smem:$0x3FB9] =	sst s0  }
0x18: {  	s0 =	sld [smem:$0x3F9C];
	_ =	swait.ge [sflag:s4], $0x0  }
0x19: {  	s7 =	sld [smem:$0x3F9D]  }
0x1a: {  	s8 =	sadd.s32 $0xFFFFE003, lr  }
0x1b: {  	s9 =	sadd.s32 $0xFFFFFEF7, lr;
	s5 =	simm.s32 $0xFFFFFFFF;
	p2 =	slt.u32 s8, $0xFFFFF086  }
0x1c: {  	p1 =	slt.u32 s9, $0xF7A;
	s5 =	simm.s32 @!p2 $0x0  }
0x1d: {  	s5 =	simm.s32 @p1 $0x1;
	p0 =	seq.s32 s7, s2  }
0x1e: {  	s7 =	smul.u32 @!p0 $0xF7A, s2;
	p2 =	seq.s32 @!p0 s5, $0x0  }
0x1f: {  	s9 =	smul.u32 $0xF7A, s1;
	s8 =	simm.s32 @!p0 $0x1BF5;
	p2 =	por !p2, p0  }
0x20: {  	[sflag:s8] =	ssyncset.s32 @!p0 $0xFFFFF086;
	s6 =	sadd.s32 @!p0 s3, s7;
	s7 =	simm.s32 @!p0 $0x108  }
0x21: {  	s3 =	sadd.s32 s3, s9;
	s6 =	sadd.s32 @!p0 $0x88, s6;
	s7 =	simm.s32 @p2 $0x1082  }
0x22: {  	[simem:s7], [sflag:s8] =	dma.local @!p0 [hbm:s6], $0xF7A  }
0x23: {  	s9 =	sor.u32 $0xD0000000, s2;
	s6 =	simm.s32 $0x108;
	_ =	swait.ge @!p0 [sflag:s8], $0x0  }
0x24: {  	s3 =	sadd.s32 $0x88, s3;
	s6 =	simm.s32 @!p1 $0x1082;
	[sflag:s4] =	ssyncset.s32 $0xFFFFF086  }
0x25: {  	[simem:s6], [sflag:s4] =	dma.local [hbm:s3], $0xF7A  }
0x26: {  	[smem:$0x3F9D] =	sst s1;
	(tag) =	ssettag s2;
	_ =	strace s9  }
0x27: {  	s1 =	sld [smem:$0x3FAD]  }
0x28: {  	s2 =	sld [smem:$0x3FAE]  }
0x29: {  	s4 =	sld [smem:$0x3FB0]  }
0x2a: {  	p0 =	seq.s32 s5, $0x0;
	s5 =	sld [smem:$0x3FB1]  }
0x2b: {  	s6 =	sld [smem:$0x3FB2]  }
0x2c: {  	s7 =	sld [smem:$0x3FB3]  }
0x2d: {  	s3 =	simm.s32 $0x108;
	s8 =	sld [smem:$0x3FB4]  }
0x2e: {  	s3 =	simm.s32 @!p0 $0x1082;
	s9 =	sld [smem:$0x3FB5]  }
0x2f: {  	lr =	sadd.s32 s0, s3;
	s0 =	sld [smem:$0x3FAC]  }
0x30: {  	s3 =	sld [smem:$0x3FAF]  }
0x31: {  	[smem:$0x3FB8] =	sst s10  }
0x32: {  	s10 =	sld [smem:$0x3FB6];
	_ =	sdelay $0x3  }
0x33: {  	p0 =	seq.s32 s10, $0x1;
	s10 =	sld [smem:$0x3FB8];
	_ =	sdelay $0x3  }
0x34: {  	[smem:$0x3FB8] =	sst s10  }
0x35: {  	s10 =	sld [smem:$0x3FB7];
	_ =	sdelay $0x3  }
0x36: {  	p1 =	seq.s32 s10, $0x1;
	s10 =	sld [smem:$0x3FB8];
	_ =	sdelay $0x3  }
0x37: {  	[smem:$0x3FB8] =	sst s10  }
0x38: {  	s10 =	sld [smem:$0x3FB9]  }
0x39: {  	_ = 	snop;
	(pc) =	sbr.ind lr, $3  }
0x3a: {  	_ = 	snop  }
0x3b: {  	_ = 	snop  }
0x3c: {  	p2 =	seq.s32 s10, $0x1;
	s10 =	sld [smem:$0x3FB8]  }
0x3d: {  	_ =	shalt  }
0x3e: {  	_ =	shalt  }
0x3f: {  	_ =	shalt  }
0x40: {  	_ =	shalt  }
0x41: {  	_ =	shalt  }
0x42: {  	_ =	shalt  }
0x43: {  	_ =	shalt  }
0x44: {  	_ =	shalt  }
0x45: {  	_ =	shalt  }
0x46: {  	_ =	shalt  }
0x47: {  	_ =	shalt  }
0x48: {  	_ =	shalt  }
0x49: {  	_ =	shalt  }
0x4a: {  	_ =	shalt  }
0x4b: {  	_ =	shalt  }
0x4c: {  	_ =	shalt  }
0x4d: {  	_ =	shalt  }
0x4e: {  	_ =	shalt  }
0x4f: {  	_ =	shalt  }
0x50: {  	_ =	shalt  }
0x51: {  	_ =	shalt  }
0x52: {  	_ =	shalt  }
0x53: {  	_ =	shalt  }
0x54: {  	_ =	shalt  }
0x55: {  	_ =	shalt  }
0x56: {  	_ =	shalt  }
0x57: {  	_ =	shalt  }
0x58: {  	_ =	shalt  }
0x59: {  	_ =	shalt  }
0x5a: {  	_ =	shalt  }
0x5b: {  	_ =	shalt  }
0x5c: {  	_ =	shalt  }
0x5d: {  	_ =	shalt  }
0x5e: {  	_ =	shalt  }
0x5f: {  	_ =	shalt  }
0x60: {  	_ =	shalt  }
0x61: {  	_ =	shalt  }
0x62: {  	_ =	shalt  }
0x63: {  	_ =	shalt  }
0x64: {  	_ =	shalt  }
0x65: {  	_ =	shalt  }
0x66: {  	_ =	shalt  }
0x67: {  	_ =	shalt  }
0x68: {  	_ =	shalt  }
0x69: {  	_ =	shalt  }
0x6a: {  	_ =	shalt  }
0x6b: {  	_ =	shalt  }
0x6c: {  	_ =	shalt  }
0x6d: {  	_ =	shalt  }
0x6e: {  	_ =	shalt  }
0x6f: {  	_ =	shalt  }
0x70: {  	_ =	shalt  }
0x71: {  	_ =	shalt  }
0x72: {  	_ =	shalt  }
0x73: {  	_ =	shalt  }
0x74: {  	_ =	shalt  }
0x75: {  	_ =	shalt  }
0x76: {  	_ =	shalt  }
0x77: {  	_ =	shalt  }
0x78: {  	_ =	shalt  }
0x79: {  	_ =	shalt  }
0x7a: {  	_ =	shalt  }
0x7b: {  	_ =	shalt  }
0x7c: {  	_ =	shalt  }
0x7d: {  	_ =	shalt  }
0x7e: {  	_ =	shalt  }
0x7f: {  	_ =	shalt  }
0x80: {  	_ =	shalt  }
0x81: {  	_ =	shalt  }
0x82: {  	_ =	shalt  }
0x83: {  	_ =	shalt  }
0x84: {  	_ =	shalt  }
0x85: {  	_ =	shalt  }
0x86: {  	_ =	shalt  }
0x87: {  	_ =	shalt  }
.Lfunc_end0:
.L_simem_size_0:
called_computation_lowered:
.L_overlay_start_0:
0x88: {  	s2 =	sld [smem:$0x3FD9]  }
0x89: {  	s3 =	sld [smem:$0x3FFE];
	_ =	sdelay $0x1  }
0x8a: {  	s1 =	srdreg.scid  }
0x8b: {  	s0 =	sand.u32 $0x1, s1  }
0x8c: {  	s17 =	sshll.u32 s0, $0xA;
	s2 =	sadd.s32 s3, s2  }
0x8d: {  	s2 =	sadd.s32 s2, s17  }
0x8e: {  	[smem:$0x3FC4] =	sst s2  }
0x8f: {  	_ = 	snop  }
0x90: {  	s2 =	sld [smem:$0x3FD0];
	(tm) =	ssettm $0x1  }
0x91: {  	s18 =	sld [smem:$0x3FFB];
	_ =	sdelay $0x3  }
0x92: {  	_ =	strace s18  }
0x93: {  	s3 =	sld [smem:$0x3FFC];
	_ =	sdelay $0x3  }
0x94: {  	_ =	strace s3  }
0x95: {  	s3 =	sld [smem:$0x3FFD];
	_ =	sdelay $0x3  }
0x96: {  	_ =	strace s3  }
0x97: {  	_ =	strace $0x8FFFFFFF  }
0x98: {  	s19 =	sld [smem:$0x3FDB];
	_ =	sdelay $0x1  }
0x99: {  	s4 =	simm.s32 $_scs_section_size  }
0x9a: {  	s5 =	simm.s32 $_size__tile_overlayer_lowered;
	s6 =	simm.s32 $_tile_overlayer_lowered  }
0x9b: {  	s22 =	simm.s32 $0x1BFF;
	s21 =	sshll.u32 s6, $0x1;
	s3 =	sadd.s32 s4, s19  }
0x9c: {  	s7 =	simm.s32 $0x0;
	s20 =	sshll.u32 s5, $0x1;
	s5 =	sadd.s32 s21, s3  }
0x9d: {  	[timem:s7], [sflag:s22] =	dma.local [hbm:s5], s20  }
0x9e: {  	_ =	swait.ge [sflag:s22], s20  }
0x9f: {  	s4 =	ssub.s32 $0x0, s20;
	[sflag:s22] =	ssyncset.done $0x0  }
0xa0: {  	[sflag:s22] =	ssyncadd.s32 s4;
	_ =	sdelay $0x1  }
0xa1: {  	s23 =	simm.s32 $0x1B8B  }
0xa2: {  	_ =	swait.ge [sflag:s23], $0x1  }
0xa3: {  	[sflag:s23] =	ssyncset.done $0x0  }
0xa4: {  	s25 =	simm.s32 $0x1B8E;
	s24 =	sld [smem:$0x3FFE];
	[sflag:s23] =	ssyncadd.s32 $0xFFFFFFFF  }
0xa5: {  	s26 =	simm.s32 $execute0_lowered;
	[smem:$0x3FD2] =	sst s25  }
0xa6: {  	s5 =	sshll.u32 s26, $0x1;
	_ =	strace $0x80000046;
	[dreg:$0x1] =	wrdreg $0xFFFFFFFF  }
0xa7: {  	s28 =	simm.s32 $_size_execute0_lowered;
	s3 =	sadd.s32 s3, s5;
	[dreg:$0x0] =	wrdreg $0x0  }
0xa8: {  	s5 =	sshll.u32 s28, $0x1;
	[dreg:$0x2] =	wrdreg s3  }
0xa9: {  	[dreg:$0x3] =	wrdreg s5  }
0xaa: {  	[dreg:$0x4] =	wrdreg $0xC0  }
0xab: {  	_ =	task [dreg:s7], $0x5FFFF  }
0xac: {  	[dreg:$0x1] =	wrdreg $0xFFFFFFFF  }
0xad: {  	[dreg:$0x0] =	wrdreg $0x60  }
0xae: {  	[dreg:$0x2] =	wrdreg s24  }
0xaf: {  	[dreg:$0x3] =	wrdreg s2  }
0xb0: {  	[dreg:$0x4] =	wrdreg $0x113F00  }
0xb1: {  	[dreg:$0x5] =	wrdreg $0x163F00  }
0xb2: {  	[dreg:$0x6] =	wrdreg $0x9  }
0xb3: {  	_ =	task.clear_ibuf [dreg:s7], $0x7FFFF;
	_ =	strace $0x90000046  }
0xb4: {  	s29 =	simm.s32 $0x9;
	_ =	strace $0x80000048  }
0xb5: {  	_ =	swait.ge [sflag:s29], $0x1  }
0xb6: {  	[sflag:s29] =	ssyncadd.s32 $0xFFFFFFFF  }
0xb7: {  	_ =	strace $0x90000048  }
0xb8: {  	_ =	sfence  }
0xb9: {  	s30 =	sld [smem:$0x0];
	_ =	sdelay $0x2  }
0xba: {  	s31 =	sshll.u32 s1, $0xD;
	s1 =	sshrl.u32 s1, $0x2  }
0xbb: {  	s3 =	sand.u32 $0x4000, s31;
	s1 =	sadd.s32 s1, s30  }
0xbc: {  	s0 =	sor.u32 s3, s0;
	s1 =	sshll.u32 s1, $0x11  }
0xbd: {  	s0 =	sor.u32 s1, s0  }
0xbe: {  	s0 =	sadd.s32 $0x8F2B, s0  }
0xbf: {  	[sflag:s0] =	ssyncadd.remote.s32 $0x1  }
0xc0: {  	_ =	sfence.sel $0xFFFF  }
0xc1: {  	[dreg:$0x0] =	wrdreg $0xFFFFFFFF;
	(pc) =	sbr.abs _section_cstart, $3  }
0xc2: {  	[dreg:$0x1] =	wrdreg $0xFFFFFFFF  }
0xc3: {  	_ =	task.clear_ibuf [dreg:s7], $0x2FFFF;
	_ =	strace $0x9FFFFFFF  }
0xc4: {  	(tm) =	ssettm $0x7FFFFFFF  }
0xc5: {  	_ =	shalt  }
tec
execute0_lowered:
.L_overlay_start_1:
0x0: {  	(tag) =	ssettag $0x1  }
0x1: {  	s0 =	rddreg [dreg:$0x0]  }
0x2: {  	s1 =	rddreg [dreg:$0x1]  }
0x3: {  	s2 =	rddreg [dreg:$0x2];
	s16 =	stileid.u32  }
0x4: {  	s3 =	rddreg [dreg:$0x3];
	s4 =	simm.s32 $0x0;
	s6 =	srdreg.scid  }
0x5: {  	s28 =	simm.s32 $0xAFA0;
	s29 =	simm.s32 $0x1;
	s30 =	simm.s32 $0xBF40  }
0x6: {  	s31 =	simm.s32 $0x2;
	s7 =	smul.u32 $0x5000, s16;
	[smem:$0x7FF] =	sst s4  }
0x7: {  	s11 =	sadd.s32 $0x1E800, s0;
	s6 =	sand.u32 $0x1, s6;
	s15 =	smul.u32 $0x280, s16  }
0x8: {  	s12 =	sadd.s32 $0x32800, s0;
	s13 =	sadd.s32 $0x37800, s0;
	s22 =	smul.u32 $0x14000, s16  }
0x9: {  	_ =	strace $0x80000047;
	s9 =	ssub.s32 $0x2, s6;
	s10 =	smul.u32 $0x50000, s6  }
0xa: {  	p0 =	seq.s32 s6, $0x1;
	s5 =	sshrl.u32 s7, $0x3;
	s14 =	sshrl.u32 s9, $0x1  }
0xb: {  	s23 =	sshrl.u32 s22, $0x2;
	s24 =	sadd.s32 $0xA0, s15;
	s22 =	smul.u32 $0x1400, s16  }
0xc: {  	s12 =	smov.u32 @p0 s13;
	p1 =	por !p0, !p0;
	s13 =	simm.s32 $0x8  }
0xd: {  	s8 =	sadd.s32 s5, s0;
	s5 =	sadd.s32 $0xE00, s0;
	s14 =	ssub.s32 s9, s14  }
0xe: {  	s7 =	sadd.s32 s7, s10;
	s19 =	sadd.s32 s23, s2;
	s26 =	sshll.u32 s24, $0x5  }
0xf: {  	s9 =	sadd.s32 $0x140, s15;
	s15 =	sadd.s32 $0x1E0, s15;
	s0 =	sadd.s32 $0x1E804, s0  }
0x10: {  	s8 =	sadd.s32 $0x14800, s8;
	s7 =	sshrl.u32 s7, $0x3;
	s10 =	sshll.u32 s9, $0x5  }
0x11: {  	s17 =	sshll.u32 s9, $0x4;
	s18 =	sshll.u32 s15, $0x5;
	s21 =	sshll.u32 s15, $0x4  }
0x12: {  	s11 =	smov.u32 @p0 s0;
	s0 =	simm.s32 $0x3;
	[dreg:$0x5] =	wrdreg s8  }
0x13: {  	s8 =	smul.u32 $0x2800, s16;
	s1 =	sadd.s32 s1, s7;
	s7 =	sshll.u32 s24, $0x4  }
0x14: {  	s20 =	sadd.s32 s18, s2;
	s24 =	smax.u32 s14, $0x1;
	[dreg:$0x6] =	wrdreg s1  }
0x15: {  	s16 =	simm.s32 $0xB;
	s1 =	sadd.s32 s26, s2;
	[dreg:$0xc] =	wrdreg s20  }
0x16: {  	[dreg:$0xe] =	wrdreg s24;
	s20 =	simm.s32 $0xC;
	s24 =	simm.s32 $0x7D  }
0x17: {  	s25 =	sadd.s32 s8, s3;
	[dreg:$0x8] =	wrdreg s1;
	s1 =	sadd.s32 s7, s3  }
0x18: {  	s23 =	sshrl.u32 s8, $0x3;
	s7 =	simm.s32 $0x4;
	[dreg:$0x7] =	wrdreg s25  }
0x19: {  	s8 =	simm.s32 $0x6;
	[dreg:$0x9] =	wrdreg s1;
	s1 =	sadd.s32 s10, s2  }
0x1a: {  	s25 =	sadd.s32 s22, s11;
	s26 =	sadd.s32 s12, s23;
	[dreg:$0xa] =	wrdreg s1  }
0x1b: {  	s23 =	simm.s32 $0x109F0;
	s11 =	simm.s32 $0x5;
	[dreg:$0xf] =	wrdreg s25  }
0x1c: {  	s12 =	simm.s32 $0x7;
	s1 =	sadd.s32 s17, s3;
	[dreg:$0x10] =	wrdreg s26  }
0x1d: {  	s25 =	simm.s32 $0xA000;
	[dreg:$0xb] =	wrdreg s1;
	s1 =	sadd.s32 s21, s3  }
0x1e: {  	v0 =	vimm.bf16 $0.0e+00;
	v1 =	vimm.f32 $0.0e+00;
	v2 =	vimm.f32 $1.000000000e+00;
	s26 =	simm.s32 $0xDE80;
	[dreg:$0xd] =	wrdreg s1;
	s1 =	simm.s32 $0xCEE0  }
.LBB2_1:
0x1f: {  	s17 =	simm.s32 $0xF600;
	s18 =	simm.s32 $0x0  }
.LBB2_2:
0x20: {  	p2 =	sne.s32 s18, $0x27C0  }
.Ltmp0:
0x21: {  	_ = 	snop;
	(pc) =	sbr.rel @p2 .LBB2_2-.Ltmp0, $4  }
0x22: {  	_ = 	snop  }
0x23: {  	[tilespmem:s17+$0xFFFFFFF0] =	vst v0  }
0x24: {  	[tilespmem:s17+$0x0] =	vst v0;
	s21 =	sshra.s32 s18, $0x2  }
0x25: {  	s17 =	sadd.s32 $0x20, s17;
	s18 =	sadd.s32 $0x40, s18;
	[tilespmem:s21+$0x109F0] =	vst v1  }
0x26: {  	s17 =	simm.s32 $0x40;
	s18 =	simm.s32 $0x0  }
.LBB2_4:
0x27: {  	p2 =	sne.s32 s17, $0x1F00;
	[tilespmem:s18+$0xEE20] =	vst v2;
	s18 =	smov.u32 s17;
	s17 =	sadd.s32 $0x40, s17  }
.Ltmp1:
0x28: {  	(pc) =	sbr.rel @p2 .LBB2_4-.Ltmp1, $2  }
0x29: {  	_ =	sdelay $0x2  }
0x2a: {  	s18 =	sshra.s32 s18, $0x2  }
0x2b: {  	[tilespmem:s18+$0xEE20] =	vst v2;
	s17 =	simm.s32 $0x0;
	s9 =	rddreg [dreg:$0x5]  }
0x2c: {  	[tilespmem:s17], [sflag:$0xC] =	stream.linear.gather [hbm4b:s9+s17], $0x5000, $0x38;
	[tilespmem:$0x18BF0] =	vst v63  }
0x2d: {  	_ =	swait.ge [sflag:s20], $0x5000  }
0x2e: {  	[sflag:s20] =	ssyncset.done $0x0  }
0x2f: {  	s10 =	simm.s32 $0x5000;
	s14 =	rddreg [dreg:$0x6];
	[sflag:s20] =	ssyncadd.s32 $0xFFFFB000  }
0x30: {  	[tilespmem:s10], [sflag:$0xC] =	stream.linear.gather [hbm4b:s14+s17], $0x5000, $0x38;
	[tilespmem:$0x18BF0] =	vst v63  }
0x31: {  	_ =	swait.ge [sflag:s20], $0x5000  }
0x32: {  	[sflag:s20] =	ssyncset.done $0x0  }
0x33: {  	s14 =	simm.s32 $0xF5F0;
	[sflag:s20] =	ssyncadd.s32 $0xFFFFB000  }
0x34: {  	[spmem:s19] =	stream.linear.scatter [tilespmem:s14], [sflag:$0xC], $0x1400, $0x38;
	[tilespmem:$0x18BF0] =	vst v63  }
0x35: {  	_ =	swait.ge [sflag:s20], $0x1400  }
0x36: {  	[sflag:s20] =	ssyncset.done $0x0  }
0x37: {  	s15 =	rddreg [dreg:$0x7];
	[sflag:s20] =	ssyncadd.s32 $0xFFFFEC00  }
0x38: {  	[spmem:s15] =	stream.linear.scatter [tilespmem:s23], [sflag:$0xC], $0xA00, $0x38;
	[tilespmem:$0x18BF0] =	vst v63  }
0x39: {  	_ =	swait.ge [sflag:s20], $0xA00  }
0x3a: {  	[sflag:s20] =	ssyncset.done $0x0  }
0x3b: {  	s18 =	rddreg [dreg:$0x8];
	[sflag:s20] =	ssyncadd.s32 $0xFFFFF600  }
0x3c: {  	[spmem:s18] =	stream.linear.scatter [tilespmem:s14], [sflag:$0xC], $0x1400, $0x38;
	[tilespmem:$0x18BF0] =	vst v63  }
0x3d: {  	_ =	swait.ge [sflag:s20], $0x1400  }
0x3e: {  	[sflag:s20] =	ssyncset.done $0x0  }
0x3f: {  	s22 =	smov.u32 s19;
	s19 =	rddreg [dreg:$0x9];
	[sflag:s20] =	ssyncadd.s32 $0xFFFFEC00  }
0x40: {  	[spmem:s19] =	stream.linear.scatter [tilespmem:s23], [sflag:$0xC], $0xA00, $0x38;
	[tilespmem:$0x18BF0] =	vst v63  }
0x41: {  	_ =	swait.ge [sflag:s20], $0xA00  }
0x42: {  	[sflag:s20] =	ssyncset.done $0x0  }
0x43: {  	s21 =	rddreg [dreg:$0xa];
	[sflag:s20] =	ssyncadd.s32 $0xFFFFF600  }
0x44: {  	[spmem:s21] =	stream.linear.scatter [tilespmem:s14], [sflag:$0xC], $0x1400, $0x38;
	[tilespmem:$0x18BF0] =	vst v63  }
0x45: {  	_ =	swait.ge [sflag:s20], $0x1400  }
0x46: {  	[sflag:s20] =	ssyncset.done $0x0  }
0x47: {  	s15 =	rddreg [dreg:$0xb];
	[sflag:s20] =	ssyncadd.s32 $0xFFFFEC00  }
0x48: {  	[spmem:s15] =	stream.linear.scatter [tilespmem:s23], [sflag:$0xC], $0xA00, $0x38;
	[tilespmem:$0x18BF0] =	vst v63  }
0x49: {  	_ =	swait.ge [sflag:s20], $0xA00  }
0x4a: {  	[sflag:s20] =	ssyncset.done $0x0  }
0x4b: {  	s18 =	rddreg [dreg:$0xc];
	[sflag:s20] =	ssyncadd.s32 $0xFFFFF600  }
0x4c: {  	[spmem:s18] =	stream.linear.scatter [tilespmem:s14], [sflag:$0xC], $0x1400, $0x38;
	[tilespmem:$0x18BF0] =	vst v63  }
0x4d: {  	_ =	swait.ge [sflag:s20], $0x1400  }
0x4e: {  	[sflag:s20] =	ssyncset.done $0x0  }
0x4f: {  	s19 =	rddreg [dreg:$0xd];
	[sflag:s20] =	ssyncadd.s32 $0xFFFFEC00  }
0x50: {  	[spmem:s19] =	stream.linear.scatter [tilespmem:s23], [sflag:$0xC], $0xA00, $0x38;
	[tilespmem:$0x18BF0] =	vst v63  }
0x51: {  	_ =	swait.ge [sflag:s20], $0xA00  }
0x52: {  	[sflag:s20] =	ssyncset.done $0x0  }
0x53: {  	[sflag:s20] =	ssyncadd.s32 $0xFFFFF600  }
0x54: {  	[bflag:$0x0] =	sbarrier.arrive $0xFFFF  }
0x55: {  	[tilespmem:s25], [sflag:$0x1] =	stream.indirect.gather [hbm4b:s5+s24], $0x20, s10, s24, $0xb8;
	[tilespmem:$0x18BF0] =	vst v63  }
0x56: {  	s21 =	simm.s32 $0x5080;
	s18 =	simm.s32 $0x0  }
0x57: {  	[tilespmem:s28], [sflag:$0x2] =	stream.indirect.gather [hbm4b:s5+s24], $0x20, s21, s24, $0xb8;
	[tilespmem:$0x18BF0] =	vst v63  }
.LBB2_6:
0x58: {  	_ =	swait.ge [sflag:s29], $0xFA0  }
0x59: {  	s19 =	sshrl.u32 s18, $0x4;
	[sflag:s29] =	ssyncset.done $0x0  }
0x5a: {  	s21 =	sshra.s32 s17, $0x2;
	p2 =	sne.s32 s19, s6;
	[sflag:s29] =	ssyncadd.s32 $0xFFFFF060  }
0x5b: {  	[spmem:s2] =	stream.indirect.scatter.add.bf16 [tilespmem:s25], [sflag:$0x6], $0x20, s21, s24, $0xb8;
	[tilespmem:$0x18BF0] =	vst v63  }
0x5c: {  	p3 =	seq.s32 s17, $0x0;
	s19 =	simm.s32 @!p2 $0x7D;
	s14 =	simm.s32 @!p2 $0xEE20  }
0x5d: {  	[spmem:s3] =	stream.indirect.scatter.add.f32 @!p2 [tilespmem:s14], [sflag:$0xB], $0x10, s21, s19, $0xb8;
	[tilespmem:$0x18BF0] =	vst v63  }
0x5e: {  	s14 =	simm.s32 @!p3 $0x8  }
0x5f: {  	_ =	swait.ge @!p3 [sflag:s14], $0xFA0  }
0x60: {  	[sflag:s14] =	ssyncset.done @!p3 $0x0  }
0x61: {  	s19 =	sadd.s32 $0x5100, s21;
	[sflag:s14] =	ssyncadd.s32 @!p3 $0xFFFFF060  }
0x62: {  	[tilespmem:s30], [sflag:$0x3] =	stream.indirect.gather [hbm4b:s5+s24], $0x20, s19, s24, $0xb8;
	[tilespmem:$0x18BF0] =	vst v63  }
0x63: {  	_ =	swait.ge [sflag:s31], $0xFA0  }
0x64: {  	p4 =	slt.u32 s18, $0x10;
	p2 =	por p1, p1;
	[sflag:s31] =	ssyncset.done $0x0  }
0x65: {  	p2 =	por @!p4 p0, p0;
	s14 =	sadd.s32 $0x80, s21;
	[sflag:s31] =	ssyncadd.s32 $0xFFFFF060  }
0x66: {  	[spmem:s2] =	stream.indirect.scatter.add.bf16 [tilespmem:s28], [sflag:$0x7], $0x20, s14, s24, $0xb8;
	[tilespmem:$0x18BF0] =	vst v63  }
0x67: {  	s15 =	simm.s32 @p2 $0xEE20;
	s19 =	simm.s32 @p2 $0x7D  }
0x68: {  	[spmem:s3] =	stream.indirect.scatter.add.f32 @p2 [tilespmem:s15], [sflag:$0xB], $0x10, s14, s19, $0xb8;
	[tilespmem:$0x18BF0] =	vst v63  }
0x69: {  	s14 =	simm.s32 @!p3 $0x9  }
0x6a: {  	_ =	swait.ge @!p3 [sflag:s14], $0xFA0  }
0x6b: {  	[sflag:s14] =	ssyncset.done @!p3 $0x0  }
0x6c: {  	s9 =	sadd.s32 $0x5180, s21;
	[sflag:s14] =	ssyncadd.s32 @!p3 $0xFFFFF060  }
0x6d: {  	[tilespmem:s1], [sflag:$0x4] =	stream.indirect.gather [hbm4b:s5+s24], $0x20, s9, s24, $0xb8;
	[tilespmem:$0x18BF0] =	vst v63  }
0x6e: {  	_ =	swait.ge [sflag:s0], $0xFA0  }
0x6f: {  	[sflag:s0] =	ssyncset.done $0x0  }
0x70: {  	s14 =	sadd.s32 $0x100, s21;
	[sflag:s0] =	ssyncadd.s32 $0xFFFFF060  }
0x71: {  	[spmem:s2] =	stream.indirect.scatter.add.bf16 [tilespmem:s30], [sflag:$0x8], $0x20, s14, s24, $0xb8;
	[tilespmem:$0x18BF0] =	vst v63  }
0x72: {  	_ = 	snop  }
0x73: {  	[spmem:s3] =	stream.indirect.scatter.add.f32 @p2 [tilespmem:s15], [sflag:$0xB], $0x10, s14, s19, $0xb8;
	[tilespmem:$0x18BF0] =	vst v63  }
0x74: {  	s14 =	simm.s32 @!p3 $0xA  }
0x75: {  	_ =	swait.ge @!p3 [sflag:s14], $0xFA0  }
0x76: {  	[sflag:s14] =	ssyncset.done @!p3 $0x0  }
0x77: {  	s10 =	sadd.s32 $0x5200, s21;
	[sflag:s14] =	ssyncadd.s32 @!p3 $0xFFFFF060  }
0x78: {  	[tilespmem:s26], [sflag:$0x5] =	stream.indirect.gather [hbm4b:s5+s24], $0x20, s10, s24, $0xb8;
	[tilespmem:$0x18BF0] =	vst v63  }
0x79: {  	_ =	swait.ge [sflag:s7], $0xFA0  }
0x7a: {  	[sflag:s7] =	ssyncset.done $0x0  }
0x7b: {  	s14 =	sadd.s32 $0x180, s21;
	[sflag:s7] =	ssyncadd.s32 $0xFFFFF060  }
0x7c: {  	[spmem:s2] =	stream.indirect.scatter.add.bf16 [tilespmem:s1], [sflag:$0x9], $0x20, s14, s24, $0xb8;
	[tilespmem:$0x18BF0] =	vst v63  }
0x7d: {  	_ = 	snop  }
0x7e: {  	[spmem:s3] =	stream.indirect.scatter.add.f32 @p2 [tilespmem:s15], [sflag:$0xB], $0x10, s14, s19, $0xb8;
	[tilespmem:$0x18BF0] =	vst v63  }
0x7f: {  	p3 =	seq.s32 s17, $0x13600;
	_ =	swait.ge [sflag:s8], $0xFA0  }
0x80: {  	s9 =	simm.s32 @!p3 $0x7D;
	s14 =	sshra.s32 @!p3 s17, $0x2;
	[sflag:s8] =	ssyncset.done $0x0  }
0x81: {  	s10 =	simm.s32 @!p3 $0xA000;
	s14 =	sadd.s32 @!p3 $0x5280, s14;
	[sflag:s8] =	ssyncadd.s32 $0xFFFFF060  }
0x82: {  	[tilespmem:s10], [sflag:$0x1] =	stream.indirect.gather @!p3 [hbm4b:s5+s9], $0x20, s14, s9, $0xb8;
	[tilespmem:$0x18BF0] =	vst v63  }
0x83: {  	_ =	swait.ge [sflag:s11], $0xFA0  }
0x84: {  	[sflag:s11] =	ssyncset.done $0x0  }
0x85: {  	s9 =	sadd.s32 $0x200, s21;
	[sflag:s11] =	ssyncadd.s32 $0xFFFFF060  }
0x86: {  	[spmem:s2] =	stream.indirect.scatter.add.bf16 [tilespmem:s26], [sflag:$0xA], $0x20, s9, s24, $0xb8;
	[tilespmem:$0x18BF0] =	vst v63  }
.Ltmp2:
0x87: {  	_ = 	snop;
	(pc) =	sbr.rel @p3 .LBB2_8-.Ltmp2, $4  }
0x88: {  	[spmem:s3] =	stream.indirect.scatter.add.f32 @p2 [tilespmem:s15], [sflag:$0xB], $0x10, s9, s19, $0xb8;
	[tilespmem:$0x18BF0] =	vst v63  }
0x89: {  	_ =	swait.ge [sflag:s12], $0xFA0  }
0x8a: {  	[sflag:s12] =	ssyncset.done $0x0  }
0x8b: {  	[sflag:s12] =	ssyncadd.s32 $0xFFFFF060  }
.Ltmp3:
0x8c: {  	(pc) =	sbr.rel .LBB2_6-.Ltmp3, $3  }
0x8d: {  	_ =	sdelay $0x1  }
0x8e: {  	s9 =	sadd.s32 $0x5300, s21;
	s18 =	sadd.s32 $0x1, s18;
	s17 =	sadd.s32 $0xA00, s17  }
0x8f: {  	[tilespmem:s28], [sflag:$0x2] =	stream.indirect.gather [hbm4b:s5+s24], $0x20, s9, s24, $0xb8;
	[tilespmem:$0x18BF0] =	vst v63  }
.LBB2_8:
0x90: {  	_ =	swait.ge [sflag:s13], $0xFA0  }
0x91: {  	[sflag:s13] =	ssyncset.done $0x0  }
0x92: {  	s9 =	simm.s32 $0x9;
	[sflag:s13] =	ssyncadd.s32 $0xFFFFF060  }
0x93: {  	_ =	swait.ge [sflag:s9], $0xFA0  }
0x94: {  	[sflag:s9] =	ssyncset.done $0x0  }
0x95: {  	s21 =	simm.s32 $0xA;
	[sflag:s9] =	ssyncadd.s32 $0xFFFFF060  }
0x96: {  	_ =	swait.ge [sflag:s21], $0xFA0  }
0x97: {  	[sflag:s21] =	ssyncset.done $0x0  }
0x98: {  	[sflag:s21] =	ssyncadd.s32 $0xFFFFF060  }
0x99: {  	_ =	swait.ge [sflag:s16], $0x7D0  }
0x9a: {  	s17 =	simm.s32 $0x4F;
	s19 =	smov.u32 s22;
	[sflag:s16] =	ssyncset.done $0x0  }
.LBB2_9:
0x9b: {  	p2 =	sne.s32 s17, $0x1;
	s17 =	sadd.s32 $0xFFFFFFFF, s17;
	[sflag:s16] =	ssyncadd.s32 $0xFFFFF830  }
.Ltmp4:
0x9c: {  	(pc) =	sbr.rel @p2 .LBB2_9-.Ltmp4, $3  }
0x9d: {  	_ =	sdelay $0x1  }
0x9e: {  	_ =	swait.ge [sflag:s16], $0x7D0  }
0x9f: {  	[sflag:s16] =	ssyncset.done $0x0  }
0xa0: {  	[sflag:s16] =	ssyncadd.s32 $0xFFFFF830;
	s9 =	stileid.u32  }
0xa1: {  	s9 =	sshll.u32 s9, $0x6;
	[bflag:$0x0] =	sbarrier.arrive $0xFFFF  }
0xa2: {  	s10 =	sshrl.u32 s19, $0x3;
	s9 =	sor.u32 $0x1C0C, s9;
	s14 =	rddreg [dreg:$0xf]  }
0xa3: {  	[hbm:s14@s13], [sflag:s9] =	dma.strided [spmem:s10@s7], $0xA00, s29, $0x4   }
0xa4: {  	_ =	swait.ge [sflag:s20], $0xA00  }
0xa5: {  	[sflag:s20] =	ssyncset.done $0x0;
	s18 =	rddreg [dreg:$0x7]  }
0xa6: {  	s21 =	rddreg [dreg:$0x10];
	[sflag:s20] =	ssyncadd.s32 $0xFFFFF600;
	s10 =	sshrl.u32 s18, $0x3  }
0xa7: {  	[hbm:s21], [sflag:s9] =	dma.local [spmem:s10], $0x500  }
0xa8: {  	_ =	swait.ge [sflag:s20], $0x500  }
0xa9: {  	s4 =	sadd.s32 $0x1, s4;
	s22 =	rddreg [dreg:$0xe]  }
0xaa: {  	p2 =	sne.s32 s4, s22  }
.Ltmp5:
0xab: {  	_ = 	snop;
	(pc) =	sbr.rel @p2 .LBB2_1-.Ltmp5, $3  }
0xac: {  	_ =	sdelay $0x1  }
0xad: {  	[sflag:s20] =	ssyncset.done $0x0  }
0xae: {  	[sflag:s20] =	ssyncadd.s32 $0xFFFFFB00  }
0xaf: {  	_ =	sfence.sel $0x180000  }
0xb0: {  	[bflag:$0x0] =	sbarrier.arrive $0xFFFF  }
0xb1: {  	_ =	strace $0x90000047  }
0xb2: {  	s0 =	stileid.u32;
	[bflag:$0x2] =	sbarrier.arrive $0xFFFF  }
0xb3: {  	p0 =	sne.s32 s0, $0x0;
	s0 =	rddreg [dreg:$0x4]  }
0xb4: {  	s0 =	sadd.s32 @!p0 $0x100000, s0  }
0xb5: {  	[sflag:s0] =	ssyncadd.tile.s32 @!p0 $0x1;
	_ =	shalt  }
.Lfunc_end2:
_tile_overlayer_lowered:
.L_overlay_start_2:
0xb6: {  	(tag) =	ssettag $0x2  }
0xb7: {  	s0 =	rddreg [dreg:$0x0];
	s2 =	stileid.u32  }
0xb8: {  	s1 =	rddreg [dreg:$0x1];
	p0 =	sne.s32 s2, $0x0  }
0xb9: {  	s3 =	rddreg [dreg:$0x2];
	[bflag:$0x3] =	sbarrier.arrive $0xFFFF;
	s2 =	simm.s32 @!p0 $0x1C0C  }
0xba: {  	[timem:s3], [sflag:s2] =	dma.local @!p0 [hbm:s0], s1  }
0xbb: {  	s0 =	simm.s32 @!p0 $0xC  }
0xbc: {  	_ =	swait.ge @!p0 [sflag:s0], s1  }
0xbd: {  	s1 =	ssub.s32 @!p0 $0x0, s1;
	[sflag:s0] =	ssyncset.done @!p0 $0x0  }
0xbe: {  	[sflag:s0] =	ssyncadd.s32 @!p0 s1  }
0xbf: {  	[bflag:$0x3] =	sbarrier.arrive $0xFFFF  }
0xc0: {  	_ =	shalt  }

</sc_bundles>
